<compile_context>
chip_gen: v7x
topology: tpu7x:2x2x1
jax: 0.10.2.dev20260603
libtpu: 0.0.44.dev20260713+nightly
codegen_flags: <defaults>
</compile_context>

<pallas_src>
import functools

import jax
import jax.numpy as jnp
from jax import lax
from jax.experimental import pallas as pl
from jax.experimental.pallas import tpu as pltpu
from jax.experimental.pallas import tpu_sc as plsc

_W0 = 1000.0
_H0 = 1000.0

_NC = 2
_NS = 16
_NW = _NC * _NS
_CHUNK = 128


@functools.lru_cache(maxsize=None)
def _build(B, D, with_f):
    b_per_w = B // _NW
    assert B % _NW == 0 and b_per_w % _CHUNK == 0
    n_chunks = b_per_w // _CHUNK

    mesh = plsc.VectorSubcoreMesh(core_axis_name="c", subcore_axis_name="s")

    out_type = [jax.ShapeDtypeStruct((D, B), jnp.float32)]
    if with_f:
        out_type.append(jax.ShapeDtypeStruct((16,), jnp.float32))
    scratch = [
        pltpu.VMEM((n_chunks, _CHUNK), jnp.int32),
        pltpu.VMEM((D, b_per_w), jnp.float32),
        pltpu.SemaphoreType.DMA,
    ]
    if with_f:
        scratch.append(pltpu.VMEM((16,), jnp.float32))

    def body(*refs):
        if with_f:
            (tab_hbm, f_hbm, idx_hbm, tab_out, f_out,
             idx_v, rows_v, sem, f_v) = refs
        else:
            tab_hbm, idx_hbm, tab_out, idx_v, rows_v, sem = refs
        wid = lax.axis_index("s") * _NC + lax.axis_index("c")
        base = wid * b_per_w

        pltpu.sync_copy(idx_hbm.at[pl.ds(wid * n_chunks, n_chunks)], idx_v)

        copies = []
        for c in range(D):
            for j in range(n_chunks):
                sl = pl.ds(j * _CHUNK, _CHUNK)
                copies.append(pltpu.async_copy(
                    tab_hbm.at[c].at[idx_v.at[j]], rows_v.at[c].at[sl], sem))
        for cp in copies:
            cp.wait()

        pltpu.sync_copy(rows_v, tab_out.at[:, pl.ds(base, b_per_w)])

        if with_f:
            @pl.when(wid == 0)
            def _():
                pltpu.sync_copy(f_hbm, f_v)
                fv = f_v[...]
                scale = jnp.where(lax.iota(jnp.int32, 16) == 0,
                                  jnp.float32(_W0), jnp.float32(_H0))
                f_v[...] = fv * fv * scale
                pltpu.sync_copy(f_v, f_out)

    return pl.kernel(
        body,
        mesh=mesh,
        out_type=out_type,
        scratch_types=scratch,
        compiler_params=pltpu.CompilerParams(use_tc_tiling_on_sc=False),
    )


def kernel(phi, t, f, indices):
    B = indices.shape[0]
    D = phi.shape[1]
    idx2 = indices.astype(jnp.int32).reshape(B // _CHUNK, _CHUNK)
    f16 = jnp.zeros((16,), jnp.float32).at[:2].set(f.astype(jnp.float32))
    phi_sel, fxy = _build(B, D, True)(phi.T, f16, idx2)
    t_sel, = _build(B, D, False)(t.T, idx2)
    return (phi_sel.T, t_sel.T, fxy[0], fxy[1])

# --- scband reference (transcript-rebuilt; emitter-appended) ---
"""Pipeline reference for scband-cam-params-40235253629396 (READ-ONLY COPY).

The authoritative reference and input builder live on the scoring server;
editing this copy changes nothing except your own understanding.
"""

import jax, jax.numpy as jnp
import numpy as np

N_IMGS = 1000000
BATCH = 16384
H0 = 1000.0
W0 = 1000.0

def setup_inputs(seed: int = 0) -> dict:
    key = jax.random.key(seed)
    k1, k2, k3, k4 = jax.random.split(key, 4)
    # learned per-image camera parameters (axis-angle rotation + translation)
    phi = jax.random.normal(k1, (N_IMGS, 3), dtype=jnp.float32)
    t = jax.random.normal(k2, (N_IMGS, 3), dtype=jnp.float32)
    # intrinsics in 'square' representation (sqrt of focal ratio)
    f = jax.random.uniform(k3, (2,), dtype=jnp.float32)
    indices = jax.random.randint(k4, (BATCH,), 0, N_IMGS, dtype=jnp.int64) if jax.config.jax_enable_x64 else jax.random.randint(k4, (BATCH,), 0, N_IMGS)
    return {"phi": phi, "t": t, "f": f, "indices": indices}

def reference(phi, t, f, indices):
    # get_focal with intr_repr='square': f -> f**2, then scale by W/H
    f2 = f ** 2
    fx = f2[0] * W0
    fy = f2[1] * H0
    # embedding lookup of per-image camera parameters
    phi_sel = jnp.take(phi, indices, axis=0)
    t_sel = jnp.take(t, indices, axis=0)
    return (phi_sel, t_sel, fx, fy)

if __name__ == "__main__":
    import jax
    _d = setup_inputs()
    print(jax.jit(kernel)(*tuple(_d.values())))

</pallas_src>

<mosaic_0001>
#map = affine_map<(d0, d1) -> (0, 0)>
#map1 = affine_map<(d0, d1) -> (0)>
module attributes {stable_mosaic.version = 14 : i64} {
  func.func @body(%arg0: i32, %arg1: i32, %arg2: memref<3x1000000xf32, #tpu.memory_space<hbm>>, %arg3: memref<16xf32, #tpu.memory_space<hbm>>, %arg4: memref<128x128xi32, #tpu.memory_space<hbm>>, %arg5: memref<3x16384xf32, #tpu.memory_space<hbm>>, %arg6: memref<16xf32, #tpu.memory_space<hbm>>, %arg7: memref<4x128xi32, #tpu.memory_space<vmem>>, %arg8: memref<3x512xf32, #tpu.memory_space<vmem>>, %arg9: memref<!tpu.dma_semaphore, #tpu.memory_space<semaphore_mem>>, %arg10: memref<16xf32, #tpu.memory_space<vmem>>) attributes {dimension_semantics = [#tpu.dimension_semantics<core_parallel>, #tpu.dimension_semantics<subcore_parallel>], iteration_bounds = array<i64: 2, 16>, scalar_prefetch = 0 : i64, scratch_operands = 4 : i64, tpu.core_type = #tpu.core_type<sc_vector_subcore>, window_params = [{transform_indices = #map}, {transform_indices = #map1}, {transform_indices = #map}, {transform_indices = #map}, {transform_indices = #map1}]} {
    %mul3A = arith.constant 2 : i32
    %mul3A_0 = arith.muli %arg1, %mul3A : i32
    %add3A = arith.addi %mul3A_0, %arg0 : i32
    %mul3A_1 = arith.constant 512 : i32
    %mul3A_2 = arith.muli %add3A, %mul3A_1 : i32
    %mul3A_3 = arith.constant 4 : i32
    %mul3A_4 = arith.muli %add3A, %mul3A_3 : i32
    "tpu.region"() ({
      %run_scoped3A = tpu.sem_alloc : memref<!tpu.dma_semaphore, #tpu.memory_space<semaphore_mem>>
      %dma_start3A_389 = arith.constant 0 : i32
      %dma_start3A_390 = tpu.memref_slice %arg4[%mul3A_4, %dma_start3A_389] : memref<128x128xi32, #tpu.memory_space<hbm>> -> memref<4x128xi32, #tpu.memory_space<hbm>>
      %dma_start3A_391 = arith.constant 0 : i32
      %dma_start3A_392 = tpu.memref_slice %arg4[%mul3A_4, %dma_start3A_391] : memref<128x128xi32, #tpu.memory_space<hbm>> -> memref<4x128xi32, #tpu.memory_space<hbm>>
      tpu.enqueue_dma source(%dma_start3A_392 : memref<4x128xi32, #tpu.memory_space<hbm>>) target(%arg7 : memref<4x128xi32, #tpu.memory_space<vmem>>) target_semaphore(%run_scoped3A : memref<!tpu.dma_semaphore, #tpu.memory_space<semaphore_mem>>)
      %dma_wait3A_393 = arith.constant 0 : i32
      %dma_wait3A_394 = tpu.memref_slice %arg4[%mul3A_4, %dma_wait3A_393] : memref<128x128xi32, #tpu.memory_space<hbm>> -> memref<4x128xi32, #tpu.memory_space<hbm>>
      %dma_wait3A_395 = arith.constant 0 : i32
      %dma_wait3A_396 = tpu.memref_slice %arg4[%mul3A_4, %dma_wait3A_395] : memref<128x128xi32, #tpu.memory_space<hbm>> -> memref<4x128xi32, #tpu.memory_space<hbm>>
      tpu.wait_dma2 semaphore(%run_scoped3A : memref<!tpu.dma_semaphore, #tpu.memory_space<semaphore_mem>>) src(%dma_wait3A_396 : memref<4x128xi32, #tpu.memory_space<hbm>>) dst(%arg7 : memref<4x128xi32, #tpu.memory_space<vmem>>)
      tpu.yield
    }) : () -> ()
    %dma_start3A = arith.constant 0 : i32
    %dma_start3A_5 = arith.constant 0 : i32
    %dma_start3A_6 = arith.constant 0 : i32
    %dma_start3A_7 = arith.constant 0 : i32
    %dma_start3A_8 = tpu.memref_slice %arg8[%dma_start3A_6, %dma_start3A_7] : memref<3x512xf32, #tpu.memory_space<vmem>> -> memref<1x512xf32, #tpu.memory_space<vmem>>
    %dma_start3A_9 = tpu.memref_squeeze %dma_start3A_8 : memref<1x512xf32, #tpu.memory_space<vmem>> -> memref<512xf32, #tpu.memory_space<vmem>>
    %dma_start3A_10 = arith.constant 0 : i32
    %dma_start3A_11 = tpu.memref_slice %dma_start3A_9[%dma_start3A_10] : memref<512xf32, #tpu.memory_space<vmem>> -> memref<128xf32, #tpu.memory_space<vmem>>
    %dma_start3A_12 = arith.constant 0 : i32
    %dma_start3A_13 = tpu.memref_slice %arg7[%dma_start3A_5, %dma_start3A_12] : memref<4x128xi32, #tpu.memory_space<vmem>> -> memref<1x128xi32, #tpu.memory_space<vmem>>
    %dma_start3A_14 = tpu.memref_squeeze %dma_start3A_13 : memref<1x128xi32, #tpu.memory_space<vmem>> -> memref<128xi32, #tpu.memory_space<vmem>>
    %dma_start3A_15 = arith.constant 0 : i32
    %dma_start3A_16 = tpu.memref_slice %arg2[%dma_start3A, %dma_start3A_15] : memref<3x1000000xf32, #tpu.memory_space<hbm>> -> memref<1x1000000xf32, #tpu.memory_space<hbm>>
    %dma_start3A_17 = tpu.memref_squeeze %dma_start3A_16 : memref<1x1000000xf32, #tpu.memory_space<hbm>> -> memref<1000000xf32, #tpu.memory_space<hbm>>
    %dma_start3A_18 = arith.constant 0 : i32
    %dma_start3A_19 = tpu.memref_slice %dma_start3A_17[%dma_start3A_18] : memref<1000000xf32, #tpu.memory_space<hbm>> -> memref<1000000xf32, #tpu.memory_space<hbm>>
    tpu.enqueue_indirect_dma source(%dma_start3A_19 : memref<1000000xf32, #tpu.memory_space<hbm>>) target(%dma_start3A_11 : memref<128xf32, #tpu.memory_space<vmem>>) offsets(%dma_start3A_14 : memref<128xi32, #tpu.memory_space<vmem>>) semaphore(%arg9 : memref<!tpu.dma_semaphore, #tpu.memory_space<semaphore_mem>>)
    %dma_start3A_20 = arith.constant 0 : i32
    %dma_start3A_21 = arith.constant 1 : i32
    %dma_start3A_22 = arith.constant 0 : i32
    %dma_start3A_23 = arith.constant 0 : i32
    %dma_start3A_24 = tpu.memref_slice %arg8[%dma_start3A_22, %dma_start3A_23] : memref<3x512xf32, #tpu.memory_space<vmem>> -> memref<1x512xf32, #tpu.memory_space<vmem>>
    %dma_start3A_25 = tpu.memref_squeeze %dma_start3A_24 : memref<1x512xf32, #tpu.memory_space<vmem>> -> memref<512xf32, #tpu.memory_space<vmem>>
    %dma_start3A_26 = arith.constant 128 : i32
    %dma_start3A_27 = tpu.memref_slice %dma_start3A_25[%dma_start3A_26] : memref<512xf32, #tpu.memory_space<vmem>> -> memref<128xf32, #tpu.memory_space<vmem>>
    %dma_start3A_28 = arith.constant 0 : i32
    %dma_start3A_29 = tpu.memref_slice %arg7[%dma_start3A_21, %dma_start3A_28] : memref<4x128xi32, #tpu.memory_space<vmem>> -> memref<1x128xi32, #tpu.memory_space<vmem>>
    %dma_start3A_30 = tpu.memref_squeeze %dma_start3A_29 : memref<1x128xi32, #tpu.memory_space<vmem>> -> memref<128xi32, #tpu.memory_space<vmem>>
    %dma_start3A_31 = arith.constant 0 : i32
    %dma_start3A_32 = tpu.memref_slice %arg2[%dma_start3A_20, %dma_start3A_31] : memref<3x1000000xf32, #tpu.memory_space<hbm>> -> memref<1x1000000xf32, #tpu.memory_space<hbm>>
    %dma_start3A_33 = tpu.memref_squeeze %dma_start3A_32 : memref<1x1000000xf32, #tpu.memory_space<hbm>> -> memref<1000000xf32, #tpu.memory_space<hbm>>
    %dma_start3A_34 = arith.constant 0 : i32
    %dma_start3A_35 = tpu.memref_slice %dma_start3A_33[%dma_start3A_34] : memref<1000000xf32, #tpu.memory_space<hbm>> -> memref<1000000xf32, #tpu.memory_space<hbm>>
    tpu.enqueue_indirect_dma source(%dma_start3A_35 : memref<1000000xf32, #tpu.memory_space<hbm>>) target(%dma_start3A_27 : memref<128xf32, #tpu.memory_space<vmem>>) offsets(%dma_start3A_30 : memref<128xi32, #tpu.memory_space<vmem>>) semaphore(%arg9 : memref<!tpu.dma_semaphore, #tpu.memory_space<semaphore_mem>>)
    %dma_start3A_36 = arith.constant 0 : i32
    %dma_start3A_37 = arith.constant 2 : i32
    %dma_start3A_38 = arith.constant 0 : i32
    %dma_start3A_39 = arith.constant 0 : i32
    %dma_start3A_40 = tpu.memref_slice %arg8[%dma_start3A_38, %dma_start3A_39] : memref<3x512xf32, #tpu.memory_space<vmem>> -> memref<1x512xf32, #tpu.memory_space<vmem>>
    %dma_start3A_41 = tpu.memref_squeeze %dma_start3A_40 : memref<1x512xf32, #tpu.memory_space<vmem>> -> memref<512xf32, #tpu.memory_space<vmem>>
    %dma_start3A_42 = arith.constant 256 : i32
    %dma_start3A_43 = tpu.memref_slice %dma_start3A_41[%dma_start3A_42] : memref<512xf32, #tpu.memory_space<vmem>> -> memref<128xf32, #tpu.memory_space<vmem>>
    %dma_start3A_44 = arith.constant 0 : i32
    %dma_start3A_45 = tpu.memref_slice %arg7[%dma_start3A_37, %dma_start3A_44] : memref<4x128xi32, #tpu.memory_space<vmem>> -> memref<1x128xi32, #tpu.memory_space<vmem>>
    %dma_start3A_46 = tpu.memref_squeeze %dma_start3A_45 : memref<1x128xi32, #tpu.memory_space<vmem>> -> memref<128xi32, #tpu.memory_space<vmem>>
    %dma_start3A_47 = arith.constant 0 : i32
    %dma_start3A_48 = tpu.memref_slice %arg2[%dma_start3A_36, %dma_start3A_47] : memref<3x1000000xf32, #tpu.memory_space<hbm>> -> memref<1x1000000xf32, #tpu.memory_space<hbm>>
    %dma_start3A_49 = tpu.memref_squeeze %dma_start3A_48 : memref<1x1000000xf32, #tpu.memory_space<hbm>> -> memref<1000000xf32, #tpu.memory_space<hbm>>
    %dma_start3A_50 = arith.constant 0 : i32
    %dma_start3A_51 = tpu.memref_slice %dma_start3A_49[%dma_start3A_50] : memref<1000000xf32, #tpu.memory_space<hbm>> -> memref<1000000xf32, #tpu.memory_space<hbm>>
    tpu.enqueue_indirect_dma source(%dma_start3A_51 : memref<1000000xf32, #tpu.memory_space<hbm>>) target(%dma_start3A_43 : memref<128xf32, #tpu.memory_space<vmem>>) offsets(%dma_start3A_46 : memref<128xi32, #tpu.memory_space<vmem>>) semaphore(%arg9 : memref<!tpu.dma_semaphore, #tpu.memory_space<semaphore_mem>>)
    %dma_start3A_52 = arith.constant 0 : i32
    %dma_start3A_53 = arith.constant 3 : i32
    %dma_start3A_54 = arith.constant 0 : i32
    %dma_start3A_55 = arith.constant 0 : i32
    %dma_start3A_56 = tpu.memref_slice %arg8[%dma_start3A_54, %dma_start3A_55] : memref<3x512xf32, #tpu.memory_space<vmem>> -> memref<1x512xf32, #tpu.memory_space<vmem>>
    %dma_start3A_57 = tpu.memref_squeeze %dma_start3A_56 : memref<1x512xf32, #tpu.memory_space<vmem>> -> memref<512xf32, #tpu.memory_space<vmem>>
    %dma_start3A_58 = arith.constant 384 : i32
    %dma_start3A_59 = tpu.memref_slice %dma_start3A_57[%dma_start3A_58] : memref<512xf32, #tpu.memory_space<vmem>> -> memref<128xf32, #tpu.memory_space<vmem>>
    %dma_start3A_60 = arith.constant 0 : i32
    %dma_start3A_61 = tpu.memref_slice %arg7[%dma_start3A_53, %dma_start3A_60] : memref<4x128xi32, #tpu.memory_space<vmem>> -> memref<1x128xi32, #tpu.memory_space<vmem>>
    %dma_start3A_62 = tpu.memref_squeeze %dma_start3A_61 : memref<1x128xi32, #tpu.memory_space<vmem>> -> memref<128xi32, #tpu.memory_space<vmem>>
    %dma_start3A_63 = arith.constant 0 : i32
    %dma_start3A_64 = tpu.memref_slice %arg2[%dma_start3A_52, %dma_start3A_63] : memref<3x1000000xf32, #tpu.memory_space<hbm>> -> memref<1x1000000xf32, #tpu.memory_space<hbm>>
    %dma_start3A_65 = tpu.memref_squeeze %dma_start3A_64 : memref<1x1000000xf32, #tpu.memory_space<hbm>> -> memref<1000000xf32, #tpu.memory_space<hbm>>
    %dma_start3A_66 = arith.constant 0 : i32
    %dma_start3A_67 = tpu.memref_slice %dma_start3A_65[%dma_start3A_66] : memref<1000000xf32, #tpu.memory_space<hbm>> -> memref<1000000xf32, #tpu.memory_space<hbm>>
    tpu.enqueue_indirect_dma source(%dma_start3A_67 : memref<1000000xf32, #tpu.memory_space<hbm>>) target(%dma_start3A_59 : memref<128xf32, #tpu.memory_space<vmem>>) offsets(%dma_start3A_62 : memref<128xi32, #tpu.memory_space<vmem>>) semaphore(%arg9 : memref<!tpu.dma_semaphore, #tpu.memory_space<semaphore_mem>>)
    %dma_start3A_68 = arith.constant 1 : i32
    %dma_start3A_69 = arith.constant 0 : i32
    %dma_start3A_70 = arith.constant 1 : i32
    %dma_start3A_71 = arith.constant 0 : i32
    %dma_start3A_72 = tpu.memref_slice %arg8[%dma_start3A_70, %dma_start3A_71] : memref<3x512xf32, #tpu.memory_space<vmem>> -> memref<1x512xf32, #tpu.memory_space<vmem>>
    %dma_start3A_73 = tpu.memref_squeeze %dma_start3A_72 : memref<1x512xf32, #tpu.memory_space<vmem>> -> memref<512xf32, #tpu.memory_space<vmem>>
    %dma_start3A_74 = arith.constant 0 : i32
    %dma_start3A_75 = tpu.memref_slice %dma_start3A_73[%dma_start3A_74] : memref<512xf32, #tpu.memory_space<vmem>> -> memref<128xf32, #tpu.memory_space<vmem>>
    %dma_start3A_76 = arith.constant 0 : i32
    %dma_start3A_77 = tpu.memref_slice %arg7[%dma_start3A_69, %dma_start3A_76] : memref<4x128xi32, #tpu.memory_space<vmem>> -> memref<1x128xi32, #tpu.memory_space<vmem>>
    %dma_start3A_78 = tpu.memref_squeeze %dma_start3A_77 : memref<1x128xi32, #tpu.memory_space<vmem>> -> memref<128xi32, #tpu.memory_space<vmem>>
    %dma_start3A_79 = arith.constant 0 : i32
    %dma_start3A_80 = tpu.memref_slice %arg2[%dma_start3A_68, %dma_start3A_79] : memref<3x1000000xf32, #tpu.memory_space<hbm>> -> memref<1x1000000xf32, #tpu.memory_space<hbm>>
    %dma_start3A_81 = tpu.memref_squeeze %dma_start3A_80 : memref<1x1000000xf32, #tpu.memory_space<hbm>> -> memref<1000000xf32, #tpu.memory_space<hbm>>
    %dma_start3A_82 = arith.constant 0 : i32
    %dma_start3A_83 = tpu.memref_slice %dma_start3A_81[%dma_start3A_82] : memref<1000000xf32, #tpu.memory_space<hbm>> -> memref<1000000xf32, #tpu.memory_space<hbm>>
    tpu.enqueue_indirect_dma source(%dma_start3A_83 : memref<1000000xf32, #tpu.memory_space<hbm>>) target(%dma_start3A_75 : memref<128xf32, #tpu.memory_space<vmem>>) offsets(%dma_start3A_78 : memref<128xi32, #tpu.memory_space<vmem>>) semaphore(%arg9 : memref<!tpu.dma_semaphore, #tpu.memory_space<semaphore_mem>>)
    %dma_start3A_84 = arith.constant 1 : i32
    %dma_start3A_85 = arith.constant 1 : i32
    %dma_start3A_86 = arith.constant 1 : i32
    %dma_start3A_87 = arith.constant 0 : i32
    %dma_start3A_88 = tpu.memref_slice %arg8[%dma_start3A_86, %dma_start3A_87] : memref<3x512xf32, #tpu.memory_space<vmem>> -> memref<1x512xf32, #tpu.memory_space<vmem>>
    %dma_start3A_89 = tpu.memref_squeeze %dma_start3A_88 : memref<1x512xf32, #tpu.memory_space<vmem>> -> memref<512xf32, #tpu.memory_space<vmem>>
    %dma_start3A_90 = arith.constant 128 : i32
    %dma_start3A_91 = tpu.memref_slice %dma_start3A_89[%dma_start3A_90] : memref<512xf32, #tpu.memory_space<vmem>> -> memref<128xf32, #tpu.memory_space<vmem>>
    %dma_start3A_92 = arith.constant 0 : i32
    %dma_start3A_93 = tpu.memref_slice %arg7[%dma_start3A_85, %dma_start3A_92] : memref<4x128xi32, #tpu.memory_space<vmem>> -> memref<1x128xi32, #tpu.memory_space<vmem>>
    %dma_start3A_94 = tpu.memref_squeeze %dma_start3A_93 : memref<1x128xi32, #tpu.memory_space<vmem>> -> memref<128xi32, #tpu.memory_space<vmem>>
    %dma_start3A_95 = arith.constant 0 : i32
    %dma_start3A_96 = tpu.memref_slice %arg2[%dma_start3A_84, %dma_start3A_95] : memref<3x1000000xf32, #tpu.memory_space<hbm>> -> memref<1x1000000xf32, #tpu.memory_space<hbm>>
    %dma_start3A_97 = tpu.memref_squeeze %dma_start3A_96 : memref<1x1000000xf32, #tpu.memory_space<hbm>> -> memref<1000000xf32, #tpu.memory_space<hbm>>
    %dma_start3A_98 = arith.constant 0 : i32
    %dma_start3A_99 = tpu.memref_slice %dma_start3A_97[%dma_start3A_98] : memref<1000000xf32, #tpu.memory_space<hbm>> -> memref<1000000xf32, #tpu.memory_space<hbm>>
    tpu.enqueue_indirect_dma source(%dma_start3A_99 : memref<1000000xf32, #tpu.memory_space<hbm>>) target(%dma_start3A_91 : memref<128xf32, #tpu.memory_space<vmem>>) offsets(%dma_start3A_94 : memref<128xi32, #tpu.memory_space<vmem>>) semaphore(%arg9 : memref<!tpu.dma_semaphore, #tpu.memory_space<semaphore_mem>>)
    %dma_start3A_100 = arith.constant 1 : i32
    %dma_start3A_101 = arith.constant 2 : i32
    %dma_start3A_102 = arith.constant 1 : i32
    %dma_start3A_103 = arith.constant 0 : i32
    %dma_start3A_104 = tpu.memref_slice %arg8[%dma_start3A_102, %dma_start3A_103] : memref<3x512xf32, #tpu.memory_space<vmem>> -> memref<1x512xf32, #tpu.memory_space<vmem>>
    %dma_start3A_105 = tpu.memref_squeeze %dma_start3A_104 : memref<1x512xf32, #tpu.memory_space<vmem>> -> memref<512xf32, #tpu.memory_space<vmem>>
    %dma_start3A_106 = arith.constant 256 : i32
    %dma_start3A_107 = tpu.memref_slice %dma_start3A_105[%dma_start3A_106] : memref<512xf32, #tpu.memory_space<vmem>> -> memref<128xf32, #tpu.memory_space<vmem>>
    %dma_start3A_108 = arith.constant 0 : i32
    %dma_start3A_109 = tpu.memref_slice %arg7[%dma_start3A_101, %dma_start3A_108] : memref<4x128xi32, #tpu.memory_space<vmem>> -> memref<1x128xi32, #tpu.memory_space<vmem>>
    %dma_start3A_110 = tpu.memref_squeeze %dma_start3A_109 : memref<1x128xi32, #tpu.memory_space<vmem>> -> memref<128xi32, #tpu.memory_space<vmem>>
    %dma_start3A_111 = arith.constant 0 : i32
    %dma_start3A_112 = tpu.memref_slice %arg2[%dma_start3A_100, %dma_start3A_111] : memref<3x1000000xf32, #tpu.memory_space<hbm>> -> memref<1x1000000xf32, #tpu.memory_space<hbm>>
    %dma_start3A_113 = tpu.memref_squeeze %dma_start3A_112 : memref<1x1000000xf32, #tpu.memory_space<hbm>> -> memref<1000000xf32, #tpu.memory_space<hbm>>
    %dma_start3A_114 = arith.constant 0 : i32
    %dma_start3A_115 = tpu.memref_slice %dma_start3A_113[%dma_start3A_114] : memref<1000000xf32, #tpu.memory_space<hbm>> -> memref<1000000xf32, #tpu.memory_space<hbm>>
    tpu.enqueue_indirect_dma source(%dma_start3A_115 : memref<1000000xf32, #tpu.memory_space<hbm>>) target(%dma_start3A_107 : memref<128xf32, #tpu.memory_space<vmem>>) offsets(%dma_start3A_110 : memref<128xi32, #tpu.memory_space<vmem>>) semaphore(%arg9 : memref<!tpu.dma_semaphore, #tpu.memory_space<semaphore_mem>>)
    %dma_start3A_116 = arith.constant 1 : i32
    %dma_start3A_117 = arith.constant 3 : i32
    %dma_start3A_118 = arith.constant 1 : i32
    %dma_start3A_119 = arith.constant 0 : i32
    %dma_start3A_120 = tpu.memref_slice %arg8[%dma_start3A_118, %dma_start3A_119] : memref<3x512xf32, #tpu.memory_space<vmem>> -> memref<1x512xf32, #tpu.memory_space<vmem>>
    %dma_start3A_121 = tpu.memref_squeeze %dma_start3A_120 : memref<1x512xf32, #tpu.memory_space<vmem>> -> memref<512xf32, #tpu.memory_space<vmem>>
    %dma_start3A_122 = arith.constant 384 : i32
    %dma_start3A_123 = tpu.memref_slice %dma_start3A_121[%dma_start3A_122] : memref<512xf32, #tpu.memory_space<vmem>> -> memref<128xf32, #tpu.memory_space<vmem>>
    %dma_start3A_124 = arith.constant 0 : i32
    %dma_start3A_125 = tpu.memref_slice %arg7[%dma_start3A_117, %dma_start3A_124] : memref<4x128xi32, #tpu.memory_space<vmem>> -> memref<1x128xi32, #tpu.memory_space<vmem>>
    %dma_start3A_126 = tpu.memref_squeeze %dma_start3A_125 : memref<1x128xi32, #tpu.memory_space<vmem>> -> memref<128xi32, #tpu.memory_space<vmem>>
    %dma_start3A_127 = arith.constant 0 : i32
    %dma_start3A_128 = tpu.memref_slice %arg2[%dma_start3A_116, %dma_start3A_127] : memref<3x1000000xf32, #tpu.memory_space<hbm>> -> memref<1x1000000xf32, #tpu.memory_space<hbm>>
    %dma_start3A_129 = tpu.memref_squeeze %dma_start3A_128 : memref<1x1000000xf32, #tpu.memory_space<hbm>> -> memref<1000000xf32, #tpu.memory_space<hbm>>
    %dma_start3A_130 = arith.constant 0 : i32
    %dma_start3A_131 = tpu.memref_slice %dma_start3A_129[%dma_start3A_130] : memref<1000000xf32, #tpu.memory_space<hbm>> -> memref<1000000xf32, #tpu.memory_space<hbm>>
    tpu.enqueue_indirect_dma source(%dma_start3A_131 : memref<1000000xf32, #tpu.memory_space<hbm>>) target(%dma_start3A_123 : memref<128xf32, #tpu.memory_space<vmem>>) offsets(%dma_start3A_126 : memref<128xi32, #tpu.memory_space<vmem>>) semaphore(%arg9 : memref<!tpu.dma_semaphore, #tpu.memory_space<semaphore_mem>>)
    %dma_start3A_132 = arith.constant 2 : i32
    %dma_start3A_133 = arith.constant 0 : i32
    %dma_start3A_134 = arith.constant 2 : i32
    %dma_start3A_135 = arith.constant 0 : i32
    %dma_start3A_136 = tpu.memref_slice %arg8[%dma_start3A_134, %dma_start3A_135] : memref<3x512xf32, #tpu.memory_space<vmem>> -> memref<1x512xf32, #tpu.memory_space<vmem>>
    %dma_start3A_137 = tpu.memref_squeeze %dma_start3A_136 : memref<1x512xf32, #tpu.memory_space<vmem>> -> memref<512xf32, #tpu.memory_space<vmem>>
    %dma_start3A_138 = arith.constant 0 : i32
    %dma_start3A_139 = tpu.memref_slice %dma_start3A_137[%dma_start3A_138] : memref<512xf32, #tpu.memory_space<vmem>> -> memref<128xf32, #tpu.memory_space<vmem>>
    %dma_start3A_140 = arith.constant 0 : i32
    %dma_start3A_141 = tpu.memref_slice %arg7[%dma_start3A_133, %dma_start3A_140] : memref<4x128xi32, #tpu.memory_space<vmem>> -> memref<1x128xi32, #tpu.memory_space<vmem>>
    %dma_start3A_142 = tpu.memref_squeeze %dma_start3A_141 : memref<1x128xi32, #tpu.memory_space<vmem>> -> memref<128xi32, #tpu.memory_space<vmem>>
    %dma_start3A_143 = arith.constant 0 : i32
    %dma_start3A_144 = tpu.memref_slice %arg2[%dma_start3A_132, %dma_start3A_143] : memref<3x1000000xf32, #tpu.memory_space<hbm>> -> memref<1x1000000xf32, #tpu.memory_space<hbm>>
    %dma_start3A_145 = tpu.memref_squeeze %dma_start3A_144 : memref<1x1000000xf32, #tpu.memory_space<hbm>> -> memref<1000000xf32, #tpu.memory_space<hbm>>
    %dma_start3A_146 = arith.constant 0 : i32
    %dma_start3A_147 = tpu.memref_slice %dma_start3A_145[%dma_start3A_146] : memref<1000000xf32, #tpu.memory_space<hbm>> -> memref<1000000xf32, #tpu.memory_space<hbm>>
    tpu.enqueue_indirect_dma source(%dma_start3A_147 : memref<1000000xf32, #tpu.memory_space<hbm>>) target(%dma_start3A_139 : memref<128xf32, #tpu.memory_space<vmem>>) offsets(%dma_start3A_142 : memref<128xi32, #tpu.memory_space<vmem>>) semaphore(%arg9 : memref<!tpu.dma_semaphore, #tpu.memory_space<semaphore_mem>>)
    %dma_start3A_148 = arith.constant 2 : i32
    %dma_start3A_149 = arith.constant 1 : i32
    %dma_start3A_150 = arith.constant 2 : i32
    %dma_start3A_151 = arith.constant 0 : i32
    %dma_start3A_152 = tpu.memref_slice %arg8[%dma_start3A_150, %dma_start3A_151] : memref<3x512xf32, #tpu.memory_space<vmem>> -> memref<1x512xf32, #tpu.memory_space<vmem>>
    %dma_start3A_153 = tpu.memref_squeeze %dma_start3A_152 : memref<1x512xf32, #tpu.memory_space<vmem>> -> memref<512xf32, #tpu.memory_space<vmem>>
    %dma_start3A_154 = arith.constant 128 : i32
    %dma_start3A_155 = tpu.memref_slice %dma_start3A_153[%dma_start3A_154] : memref<512xf32, #tpu.memory_space<vmem>> -> memref<128xf32, #tpu.memory_space<vmem>>
    %dma_start3A_156 = arith.constant 0 : i32
    %dma_start3A_157 = tpu.memref_slice %arg7[%dma_start3A_149, %dma_start3A_156] : memref<4x128xi32, #tpu.memory_space<vmem>> -> memref<1x128xi32, #tpu.memory_space<vmem>>
    %dma_start3A_158 = tpu.memref_squeeze %dma_start3A_157 : memref<1x128xi32, #tpu.memory_space<vmem>> -> memref<128xi32, #tpu.memory_space<vmem>>
    %dma_start3A_159 = arith.constant 0 : i32
    %dma_start3A_160 = tpu.memref_slice %arg2[%dma_start3A_148, %dma_start3A_159] : memref<3x1000000xf32, #tpu.memory_space<hbm>> -> memref<1x1000000xf32, #tpu.memory_space<hbm>>
    %dma_start3A_161 = tpu.memref_squeeze %dma_start3A_160 : memref<1x1000000xf32, #tpu.memory_space<hbm>> -> memref<1000000xf32, #tpu.memory_space<hbm>>
    %dma_start3A_162 = arith.constant 0 : i32
    %dma_start3A_163 = tpu.memref_slice %dma_start3A_161[%dma_start3A_162] : memref<1000000xf32, #tpu.memory_space<hbm>> -> memref<1000000xf32, #tpu.memory_space<hbm>>
    tpu.enqueue_indirect_dma source(%dma_start3A_163 : memref<1000000xf32, #tpu.memory_space<hbm>>) target(%dma_start3A_155 : memref<128xf32, #tpu.memory_space<vmem>>) offsets(%dma_start3A_158 : memref<128xi32, #tpu.memory_space<vmem>>) semaphore(%arg9 : memref<!tpu.dma_semaphore, #tpu.memory_space<semaphore_mem>>)
    %dma_start3A_164 = arith.constant 2 : i32
    %dma_start3A_165 = arith.constant 2 : i32
    %dma_start3A_166 = arith.constant 2 : i32
    %dma_start3A_167 = arith.constant 0 : i32
    %dma_start3A_168 = tpu.memref_slice %arg8[%dma_start3A_166, %dma_start3A_167] : memref<3x512xf32, #tpu.memory_space<vmem>> -> memref<1x512xf32, #tpu.memory_space<vmem>>
    %dma_start3A_169 = tpu.memref_squeeze %dma_start3A_168 : memref<1x512xf32, #tpu.memory_space<vmem>> -> memref<512xf32, #tpu.memory_space<vmem>>
    %dma_start3A_170 = arith.constant 256 : i32
    %dma_start3A_171 = tpu.memref_slice %dma_start3A_169[%dma_start3A_170] : memref<512xf32, #tpu.memory_space<vmem>> -> memref<128xf32, #tpu.memory_space<vmem>>
    %dma_start3A_172 = arith.constant 0 : i32
    %dma_start3A_173 = tpu.memref_slice %arg7[%dma_start3A_165, %dma_start3A_172] : memref<4x128xi32, #tpu.memory_space<vmem>> -> memref<1x128xi32, #tpu.memory_space<vmem>>
    %dma_start3A_174 = tpu.memref_squeeze %dma_start3A_173 : memref<1x128xi32, #tpu.memory_space<vmem>> -> memref<128xi32, #tpu.memory_space<vmem>>
    %dma_start3A_175 = arith.constant 0 : i32
    %dma_start3A_176 = tpu.memref_slice %arg2[%dma_start3A_164, %dma_start3A_175] : memref<3x1000000xf32, #tpu.memory_space<hbm>> -> memref<1x1000000xf32, #tpu.memory_space<hbm>>
    %dma_start3A_177 = tpu.memref_squeeze %dma_start3A_176 : memref<1x1000000xf32, #tpu.memory_space<hbm>> -> memref<1000000xf32, #tpu.memory_space<hbm>>
    %dma_start3A_178 = arith.constant 0 : i32
    %dma_start3A_179 = tpu.memref_slice %dma_start3A_177[%dma_start3A_178] : memref<1000000xf32, #tpu.memory_space<hbm>> -> memref<1000000xf32, #tpu.memory_space<hbm>>
    tpu.enqueue_indirect_dma source(%dma_start3A_179 : memref<1000000xf32, #tpu.memory_space<hbm>>) target(%dma_start3A_171 : memref<128xf32, #tpu.memory_space<vmem>>) offsets(%dma_start3A_174 : memref<128xi32, #tpu.memory_space<vmem>>) semaphore(%arg9 : memref<!tpu.dma_semaphore, #tpu.memory_space<semaphore_mem>>)
    %dma_start3A_180 = arith.constant 2 : i32
    %dma_start3A_181 = arith.constant 3 : i32
    %dma_start3A_182 = arith.constant 2 : i32
    %dma_start3A_183 = arith.constant 0 : i32
    %dma_start3A_184 = tpu.memref_slice %arg8[%dma_start3A_182, %dma_start3A_183] : memref<3x512xf32, #tpu.memory_space<vmem>> -> memref<1x512xf32, #tpu.memory_space<vmem>>
    %dma_start3A_185 = tpu.memref_squeeze %dma_start3A_184 : memref<1x512xf32, #tpu.memory_space<vmem>> -> memref<512xf32, #tpu.memory_space<vmem>>
    %dma_start3A_186 = arith.constant 384 : i32
    %dma_start3A_187 = tpu.memref_slice %dma_start3A_185[%dma_start3A_186] : memref<512xf32, #tpu.memory_space<vmem>> -> memref<128xf32, #tpu.memory_space<vmem>>
    %dma_start3A_188 = arith.constant 0 : i32
    %dma_start3A_189 = tpu.memref_slice %arg7[%dma_start3A_181, %dma_start3A_188] : memref<4x128xi32, #tpu.memory_space<vmem>> -> memref<1x128xi32, #tpu.memory_space<vmem>>
    %dma_start3A_190 = tpu.memref_squeeze %dma_start3A_189 : memref<1x128xi32, #tpu.memory_space<vmem>> -> memref<128xi32, #tpu.memory_space<vmem>>
    %dma_start3A_191 = arith.constant 0 : i32
    %dma_start3A_192 = tpu.memref_slice %arg2[%dma_start3A_180, %dma_start3A_191] : memref<3x1000000xf32, #tpu.memory_space<hbm>> -> memref<1x1000000xf32, #tpu.memory_space<hbm>>
    %dma_start3A_193 = tpu.memref_squeeze %dma_start3A_192 : memref<1x1000000xf32, #tpu.memory_space<hbm>> -> memref<1000000xf32, #tpu.memory_space<hbm>>
    %dma_start3A_194 = arith.constant 0 : i32
    %dma_start3A_195 = tpu.memref_slice %dma_start3A_193[%dma_start3A_194] : memref<1000000xf32, #tpu.memory_space<hbm>> -> memref<1000000xf32, #tpu.memory_space<hbm>>
    tpu.enqueue_indirect_dma source(%dma_start3A_195 : memref<1000000xf32, #tpu.memory_space<hbm>>) target(%dma_start3A_187 : memref<128xf32, #tpu.memory_space<vmem>>) offsets(%dma_start3A_190 : memref<128xi32, #tpu.memory_space<vmem>>) semaphore(%arg9 : memref<!tpu.dma_semaphore, #tpu.memory_space<semaphore_mem>>)
    %dma_wait3A = arith.constant 0 : i32
    %dma_wait3A_196 = arith.constant 0 : i32
    %dma_wait3A_197 = arith.constant 0 : i32
    %dma_wait3A_198 = arith.constant 0 : i32
    %dma_wait3A_199 = tpu.memref_slice %arg8[%dma_wait3A_197, %dma_wait3A_198] : memref<3x512xf32, #tpu.memory_space<vmem>> -> memref<1x512xf32, #tpu.memory_space<vmem>>
    %dma_wait3A_200 = tpu.memref_squeeze %dma_wait3A_199 : memref<1x512xf32, #tpu.memory_space<vmem>> -> memref<512xf32, #tpu.memory_space<vmem>>
    %dma_wait3A_201 = arith.constant 0 : i32
    %dma_wait3A_202 = tpu.memref_slice %dma_wait3A_200[%dma_wait3A_201] : memref<512xf32, #tpu.memory_space<vmem>> -> memref<128xf32, #tpu.memory_space<vmem>>
    %dma_wait3A_203 = arith.constant 0 : i32
    %dma_wait3A_204 = tpu.memref_slice %arg7[%dma_wait3A_196, %dma_wait3A_203] : memref<4x128xi32, #tpu.memory_space<vmem>> -> memref<1x128xi32, #tpu.memory_space<vmem>>
    %dma_wait3A_205 = tpu.memref_squeeze %dma_wait3A_204 : memref<1x128xi32, #tpu.memory_space<vmem>> -> memref<128xi32, #tpu.memory_space<vmem>>
    %dma_wait3A_206 = arith.constant 0 : i32
    %dma_wait3A_207 = tpu.memref_slice %arg2[%dma_wait3A, %dma_wait3A_206] : memref<3x1000000xf32, #tpu.memory_space<hbm>> -> memref<1x1000000xf32, #tpu.memory_space<hbm>>
    %dma_wait3A_208 = tpu.memref_squeeze %dma_wait3A_207 : memref<1x1000000xf32, #tpu.memory_space<hbm>> -> memref<1000000xf32, #tpu.memory_space<hbm>>
    %dma_wait3A_209 = arith.constant 0 : i32
    %dma_wait3A_210 = tpu.memref_slice %dma_wait3A_208[%dma_wait3A_209] : memref<1000000xf32, #tpu.memory_space<hbm>> -> memref<1000000xf32, #tpu.memory_space<hbm>>
    tpu.wait_indirect_dma semaphore(%arg9 : memref<!tpu.dma_semaphore, #tpu.memory_space<semaphore_mem>>) src(%dma_wait3A_210 : memref<1000000xf32, #tpu.memory_space<hbm>>) dst(%dma_wait3A_202 : memref<128xf32, #tpu.memory_space<vmem>>)
    %dma_wait3A_211 = arith.constant 0 : i32
    %dma_wait3A_212 = arith.constant 1 : i32
    %dma_wait3A_213 = arith.constant 0 : i32
    %dma_wait3A_214 = arith.constant 0 : i32
    %dma_wait3A_215 = tpu.memref_slice %arg8[%dma_wait3A_213, %dma_wait3A_214] : memref<3x512xf32, #tpu.memory_space<vmem>> -> memref<1x512xf32, #tpu.memory_space<vmem>>
    %dma_wait3A_216 = tpu.memref_squeeze %dma_wait3A_215 : memref<1x512xf32, #tpu.memory_space<vmem>> -> memref<512xf32, #tpu.memory_space<vmem>>
    %dma_wait3A_217 = arith.constant 128 : i32
    %dma_wait3A_218 = tpu.memref_slice %dma_wait3A_216[%dma_wait3A_217] : memref<512xf32, #tpu.memory_space<vmem>> -> memref<128xf32, #tpu.memory_space<vmem>>
    %dma_wait3A_219 = arith.constant 0 : i32
    %dma_wait3A_220 = tpu.memref_slice %arg7[%dma_wait3A_212, %dma_wait3A_219] : memref<4x128xi32, #tpu.memory_space<vmem>> -> memref<1x128xi32, #tpu.memory_space<vmem>>
    %dma_wait3A_221 = tpu.memref_squeeze %dma_wait3A_220 : memref<1x128xi32, #tpu.memory_space<vmem>> -> memref<128xi32, #tpu.memory_space<vmem>>
    %dma_wait3A_222 = arith.constant 0 : i32
    %dma_wait3A_223 = tpu.memref_slice %arg2[%dma_wait3A_211, %dma_wait3A_222] : memref<3x1000000xf32, #tpu.memory_space<hbm>> -> memref<1x1000000xf32, #tpu.memory_space<hbm>>
    %dma_wait3A_224 = tpu.memref_squeeze %dma_wait3A_223 : memref<1x1000000xf32, #tpu.memory_space<hbm>> -> memref<1000000xf32, #tpu.memory_space<hbm>>
    %dma_wait3A_225 = arith.constant 0 : i32
    %dma_wait3A_226 = tpu.memref_slice %dma_wait3A_224[%dma_wait3A_225] : memref<1000000xf32, #tpu.memory_space<hbm>> -> memref<1000000xf32, #tpu.memory_space<hbm>>
    tpu.wait_indirect_dma semaphore(%arg9 : memref<!tpu.dma_semaphore, #tpu.memory_space<semaphore_mem>>) src(%dma_wait3A_226 : memref<1000000xf32, #tpu.memory_space<hbm>>) dst(%dma_wait3A_218 : memref<128xf32, #tpu.memory_space<vmem>>)
    %dma_wait3A_227 = arith.constant 0 : i32
    %dma_wait3A_228 = arith.constant 2 : i32
    %dma_wait3A_229 = arith.constant 0 : i32
    %dma_wait3A_230 = arith.constant 0 : i32
    %dma_wait3A_231 = tpu.memref_slice %arg8[%dma_wait3A_229, %dma_wait3A_230] : memref<3x512xf32, #tpu.memory_space<vmem>> -> memref<1x512xf32, #tpu.memory_space<vmem>>
    %dma_wait3A_232 = tpu.memref_squeeze %dma_wait3A_231 : memref<1x512xf32, #tpu.memory_space<vmem>> -> memref<512xf32, #tpu.memory_space<vmem>>
    %dma_wait3A_233 = arith.constant 256 : i32
    %dma_wait3A_234 = tpu.memref_slice %dma_wait3A_232[%dma_wait3A_233] : memref<512xf32, #tpu.memory_space<vmem>> -> memref<128xf32, #tpu.memory_space<vmem>>
    %dma_wait3A_235 = arith.constant 0 : i32
    %dma_wait3A_236 = tpu.memref_slice %arg7[%dma_wait3A_228, %dma_wait3A_235] : memref<4x128xi32, #tpu.memory_space<vmem>> -> memref<1x128xi32, #tpu.memory_space<vmem>>
    %dma_wait3A_237 = tpu.memref_squeeze %dma_wait3A_236 : memref<1x128xi32, #tpu.memory_space<vmem>> -> memref<128xi32, #tpu.memory_space<vmem>>
    %dma_wait3A_238 = arith.constant 0 : i32
    %dma_wait3A_239 = tpu.memref_slice %arg2[%dma_wait3A_227, %dma_wait3A_238] : memref<3x1000000xf32, #tpu.memory_space<hbm>> -> memref<1x1000000xf32, #tpu.memory_space<hbm>>
    %dma_wait3A_240 = tpu.memref_squeeze %dma_wait3A_239 : memref<1x1000000xf32, #tpu.memory_space<hbm>> -> memref<1000000xf32, #tpu.memory_space<hbm>>
    %dma_wait3A_241 = arith.constant 0 : i32
    %dma_wait3A_242 = tpu.memref_slice %dma_wait3A_240[%dma_wait3A_241] : memref<1000000xf32, #tpu.memory_space<hbm>> -> memref<1000000xf32, #tpu.memory_space<hbm>>
    tpu.wait_indirect_dma semaphore(%arg9 : memref<!tpu.dma_semaphore, #tpu.memory_space<semaphore_mem>>) src(%dma_wait3A_242 : memref<1000000xf32, #tpu.memory_space<hbm>>) dst(%dma_wait3A_234 : memref<128xf32, #tpu.memory_space<vmem>>)
    %dma_wait3A_243 = arith.constant 0 : i32
    %dma_wait3A_244 = arith.constant 3 : i32
    %dma_wait3A_245 = arith.constant 0 : i32
    %dma_wait3A_246 = arith.constant 0 : i32
    %dma_wait3A_247 = tpu.memref_slice %arg8[%dma_wait3A_245, %dma_wait3A_246] : memref<3x512xf32, #tpu.memory_space<vmem>> -> memref<1x512xf32, #tpu.memory_space<vmem>>
    %dma_wait3A_248 = tpu.memref_squeeze %dma_wait3A_247 : memref<1x512xf32, #tpu.memory_space<vmem>> -> memref<512xf32, #tpu.memory_space<vmem>>
    %dma_wait3A_249 = arith.constant 384 : i32
    %dma_wait3A_250 = tpu.memref_slice %dma_wait3A_248[%dma_wait3A_249] : memref<512xf32, #tpu.memory_space<vmem>> -> memref<128xf32, #tpu.memory_space<vmem>>
    %dma_wait3A_251 = arith.constant 0 : i32
    %dma_wait3A_252 = tpu.memref_slice %arg7[%dma_wait3A_244, %dma_wait3A_251] : memref<4x128xi32, #tpu.memory_space<vmem>> -> memref<1x128xi32, #tpu.memory_space<vmem>>
    %dma_wait3A_253 = tpu.memref_squeeze %dma_wait3A_252 : memref<1x128xi32, #tpu.memory_space<vmem>> -> memref<128xi32, #tpu.memory_space<vmem>>
    %dma_wait3A_254 = arith.constant 0 : i32
    %dma_wait3A_255 = tpu.memref_slice %arg2[%dma_wait3A_243, %dma_wait3A_254] : memref<3x1000000xf32, #tpu.memory_space<hbm>> -> memref<1x1000000xf32, #tpu.memory_space<hbm>>
    %dma_wait3A_256 = tpu.memref_squeeze %dma_wait3A_255 : memref<1x1000000xf32, #tpu.memory_space<hbm>> -> memref<1000000xf32, #tpu.memory_space<hbm>>
    %dma_wait3A_257 = arith.constant 0 : i32
    %dma_wait3A_258 = tpu.memref_slice %dma_wait3A_256[%dma_wait3A_257] : memref<1000000xf32, #tpu.memory_space<hbm>> -> memref<1000000xf32, #tpu.memory_space<hbm>>
    tpu.wait_indirect_dma semaphore(%arg9 : memref<!tpu.dma_semaphore, #tpu.memory_space<semaphore_mem>>) src(%dma_wait3A_258 : memref<1000000xf32, #tpu.memory_space<hbm>>) dst(%dma_wait3A_250 : memref<128xf32, #tpu.memory_space<vmem>>)
    %dma_wait3A_259 = arith.constant 1 : i32
    %dma_wait3A_260 = arith.constant 0 : i32
    %dma_wait3A_261 = arith.constant 1 : i32
    %dma_wait3A_262 = arith.constant 0 : i32
    %dma_wait3A_263 = tpu.memref_slice %arg8[%dma_wait3A_261, %dma_wait3A_262] : memref<3x512xf32, #tpu.memory_space<vmem>> -> memref<1x512xf32, #tpu.memory_space<vmem>>
    %dma_wait3A_264 = tpu.memref_squeeze %dma_wait3A_263 : memref<1x512xf32, #tpu.memory_space<vmem>> -> memref<512xf32, #tpu.memory_space<vmem>>
    %dma_wait3A_265 = arith.constant 0 : i32
    %dma_wait3A_266 = tpu.memref_slice %dma_wait3A_264[%dma_wait3A_265] : memref<512xf32, #tpu.memory_space<vmem>> -> memref<128xf32, #tpu.memory_space<vmem>>
    %dma_wait3A_267 = arith.constant 0 : i32
    %dma_wait3A_268 = tpu.memref_slice %arg7[%dma_wait3A_260, %dma_wait3A_267] : memref<4x128xi32, #tpu.memory_space<vmem>> -> memref<1x128xi32, #tpu.memory_space<vmem>>
    %dma_wait3A_269 = tpu.memref_squeeze %dma_wait3A_268 : memref<1x128xi32, #tpu.memory_space<vmem>> -> memref<128xi32, #tpu.memory_space<vmem>>
    %dma_wait3A_270 = arith.constant 0 : i32
    %dma_wait3A_271 = tpu.memref_slice %arg2[%dma_wait3A_259, %dma_wait3A_270] : memref<3x1000000xf32, #tpu.memory_space<hbm>> -> memref<1x1000000xf32, #tpu.memory_space<hbm>>
    %dma_wait3A_272 = tpu.memref_squeeze %dma_wait3A_271 : memref<1x1000000xf32, #tpu.memory_space<hbm>> -> memref<1000000xf32, #tpu.memory_space<hbm>>
    %dma_wait3A_273 = arith.constant 0 : i32
    %dma_wait3A_274 = tpu.memref_slice %dma_wait3A_272[%dma_wait3A_273] : memref<1000000xf32, #tpu.memory_space<hbm>> -> memref<1000000xf32, #tpu.memory_space<hbm>>
    tpu.wait_indirect_dma semaphore(%arg9 : memref<!tpu.dma_semaphore, #tpu.memory_space<semaphore_mem>>) src(%dma_wait3A_274 : memref<1000000xf32, #tpu.memory_space<hbm>>) dst(%dma_wait3A_266 : memref<128xf32, #tpu.memory_space<vmem>>)
    %dma_wait3A_275 = arith.constant 1 : i32
    %dma_wait3A_276 = arith.constant 1 : i32
    %dma_wait3A_277 = arith.constant 1 : i32
    %dma_wait3A_278 = arith.constant 0 : i32
    %dma_wait3A_279 = tpu.memref_slice %arg8[%dma_wait3A_277, %dma_wait3A_278] : memref<3x512xf32, #tpu.memory_space<vmem>> -> memref<1x512xf32, #tpu.memory_space<vmem>>
    %dma_wait3A_280 = tpu.memref_squeeze %dma_wait3A_279 : memref<1x512xf32, #tpu.memory_space<vmem>> -> memref<512xf32, #tpu.memory_space<vmem>>
    %dma_wait3A_281 = arith.constant 128 : i32
    %dma_wait3A_282 = tpu.memref_slice %dma_wait3A_280[%dma_wait3A_281] : memref<512xf32, #tpu.memory_space<vmem>> -> memref<128xf32, #tpu.memory_space<vmem>>
    %dma_wait3A_283 = arith.constant 0 : i32
    %dma_wait3A_284 = tpu.memref_slice %arg7[%dma_wait3A_276, %dma_wait3A_283] : memref<4x128xi32, #tpu.memory_space<vmem>> -> memref<1x128xi32, #tpu.memory_space<vmem>>
    %dma_wait3A_285 = tpu.memref_squeeze %dma_wait3A_284 : memref<1x128xi32, #tpu.memory_space<vmem>> -> memref<128xi32, #tpu.memory_space<vmem>>
    %dma_wait3A_286 = arith.constant 0 : i32
    %dma_wait3A_287 = tpu.memref_slice %arg2[%dma_wait3A_275, %dma_wait3A_286] : memref<3x1000000xf32, #tpu.memory_space<hbm>> -> memref<1x1000000xf32, #tpu.memory_space<hbm>>
    %dma_wait3A_288 = tpu.memref_squeeze %dma_wait3A_287 : memref<1x1000000xf32, #tpu.memory_space<hbm>> -> memref<1000000xf32, #tpu.memory_space<hbm>>
    %dma_wait3A_289 = arith.constant 0 : i32
    %dma_wait3A_290 = tpu.memref_slice %dma_wait3A_288[%dma_wait3A_289] : memref<1000000xf32, #tpu.memory_space<hbm>> -> memref<1000000xf32, #tpu.memory_space<hbm>>
    tpu.wait_indirect_dma semaphore(%arg9 : memref<!tpu.dma_semaphore, #tpu.memory_space<semaphore_mem>>) src(%dma_wait3A_290 : memref<1000000xf32, #tpu.memory_space<hbm>>) dst(%dma_wait3A_282 : memref<128xf32, #tpu.memory_space<vmem>>)
    %dma_wait3A_291 = arith.constant 1 : i32
    %dma_wait3A_292 = arith.constant 2 : i32
    %dma_wait3A_293 = arith.constant 1 : i32
    %dma_wait3A_294 = arith.constant 0 : i32
    %dma_wait3A_295 = tpu.memref_slice %arg8[%dma_wait3A_293, %dma_wait3A_294] : memref<3x512xf32, #tpu.memory_space<vmem>> -> memref<1x512xf32, #tpu.memory_space<vmem>>
    %dma_wait3A_296 = tpu.memref_squeeze %dma_wait3A_295 : memref<1x512xf32, #tpu.memory_space<vmem>> -> memref<512xf32, #tpu.memory_space<vmem>>
    %dma_wait3A_297 = arith.constant 256 : i32
    %dma_wait3A_298 = tpu.memref_slice %dma_wait3A_296[%dma_wait3A_297] : memref<512xf32, #tpu.memory_space<vmem>> -> memref<128xf32, #tpu.memory_space<vmem>>
    %dma_wait3A_299 = arith.constant 0 : i32
    %dma_wait3A_300 = tpu.memref_slice %arg7[%dma_wait3A_292, %dma_wait3A_299] : memref<4x128xi32, #tpu.memory_space<vmem>> -> memref<1x128xi32, #tpu.memory_space<vmem>>
    %dma_wait3A_301 = tpu.memref_squeeze %dma_wait3A_300 : memref<1x128xi32, #tpu.memory_space<vmem>> -> memref<128xi32, #tpu.memory_space<vmem>>
    %dma_wait3A_302 = arith.constant 0 : i32
    %dma_wait3A_303 = tpu.memref_slice %arg2[%dma_wait3A_291, %dma_wait3A_302] : memref<3x1000000xf32, #tpu.memory_space<hbm>> -> memref<1x1000000xf32, #tpu.memory_space<hbm>>
    %dma_wait3A_304 = tpu.memref_squeeze %dma_wait3A_303 : memref<1x1000000xf32, #tpu.memory_space<hbm>> -> memref<1000000xf32, #tpu.memory_space<hbm>>
    %dma_wait3A_305 = arith.constant 0 : i32
    %dma_wait3A_306 = tpu.memref_slice %dma_wait3A_304[%dma_wait3A_305] : memref<1000000xf32, #tpu.memory_space<hbm>> -> memref<1000000xf32, #tpu.memory_space<hbm>>
    tpu.wait_indirect_dma semaphore(%arg9 : memref<!tpu.dma_semaphore, #tpu.memory_space<semaphore_mem>>) src(%dma_wait3A_306 : memref<1000000xf32, #tpu.memory_space<hbm>>) dst(%dma_wait3A_298 : memref<128xf32, #tpu.memory_space<vmem>>)
    %dma_wait3A_307 = arith.constant 1 : i32
    %dma_wait3A_308 = arith.constant 3 : i32
    %dma_wait3A_309 = arith.constant 1 : i32
    %dma_wait3A_310 = arith.constant 0 : i32
    %dma_wait3A_311 = tpu.memref_slice %arg8[%dma_wait3A_309, %dma_wait3A_310] : memref<3x512xf32, #tpu.memory_space<vmem>> -> memref<1x512xf32, #tpu.memory_space<vmem>>
    %dma_wait3A_312 = tpu.memref_squeeze %dma_wait3A_311 : memref<1x512xf32, #tpu.memory_space<vmem>> -> memref<512xf32, #tpu.memory_space<vmem>>
    %dma_wait3A_313 = arith.constant 384 : i32
    %dma_wait3A_314 = tpu.memref_slice %dma_wait3A_312[%dma_wait3A_313] : memref<512xf32, #tpu.memory_space<vmem>> -> memref<128xf32, #tpu.memory_space<vmem>>
    %dma_wait3A_315 = arith.constant 0 : i32
    %dma_wait3A_316 = tpu.memref_slice %arg7[%dma_wait3A_308, %dma_wait3A_315] : memref<4x128xi32, #tpu.memory_space<vmem>> -> memref<1x128xi32, #tpu.memory_space<vmem>>
    %dma_wait3A_317 = tpu.memref_squeeze %dma_wait3A_316 : memref<1x128xi32, #tpu.memory_space<vmem>> -> memref<128xi32, #tpu.memory_space<vmem>>
    %dma_wait3A_318 = arith.constant 0 : i32
    %dma_wait3A_319 = tpu.memref_slice %arg2[%dma_wait3A_307, %dma_wait3A_318] : memref<3x1000000xf32, #tpu.memory_space<hbm>> -> memref<1x1000000xf32, #tpu.memory_space<hbm>>
    %dma_wait3A_320 = tpu.memref_squeeze %dma_wait3A_319 : memref<1x1000000xf32, #tpu.memory_space<hbm>> -> memref<1000000xf32, #tpu.memory_space<hbm>>
    %dma_wait3A_321 = arith.constant 0 : i32
    %dma_wait3A_322 = tpu.memref_slice %dma_wait3A_320[%dma_wait3A_321] : memref<1000000xf32, #tpu.memory_space<hbm>> -> memref<1000000xf32, #tpu.memory_space<hbm>>
    tpu.wait_indirect_dma semaphore(%arg9 : memref<!tpu.dma_semaphore, #tpu.memory_space<semaphore_mem>>) src(%dma_wait3A_322 : memref<1000000xf32, #tpu.memory_space<hbm>>) dst(%dma_wait3A_314 : memref<128xf32, #tpu.memory_space<vmem>>)
    %dma_wait3A_323 = arith.constant 2 : i32
    %dma_wait3A_324 = arith.constant 0 : i32
    %dma_wait3A_325 = arith.constant 2 : i32
    %dma_wait3A_326 = arith.constant 0 : i32
    %dma_wait3A_327 = tpu.memref_slice %arg8[%dma_wait3A_325, %dma_wait3A_326] : memref<3x512xf32, #tpu.memory_space<vmem>> -> memref<1x512xf32, #tpu.memory_space<vmem>>
    %dma_wait3A_328 = tpu.memref_squeeze %dma_wait3A_327 : memref<1x512xf32, #tpu.memory_space<vmem>> -> memref<512xf32, #tpu.memory_space<vmem>>
    %dma_wait3A_329 = arith.constant 0 : i32
    %dma_wait3A_330 = tpu.memref_slice %dma_wait3A_328[%dma_wait3A_329] : memref<512xf32, #tpu.memory_space<vmem>> -> memref<128xf32, #tpu.memory_space<vmem>>
    %dma_wait3A_331 = arith.constant 0 : i32
    %dma_wait3A_332 = tpu.memref_slice %arg7[%dma_wait3A_324, %dma_wait3A_331] : memref<4x128xi32, #tpu.memory_space<vmem>> -> memref<1x128xi32, #tpu.memory_space<vmem>>
    %dma_wait3A_333 = tpu.memref_squeeze %dma_wait3A_332 : memref<1x128xi32, #tpu.memory_space<vmem>> -> memref<128xi32, #tpu.memory_space<vmem>>
    %dma_wait3A_334 = arith.constant 0 : i32
    %dma_wait3A_335 = tpu.memref_slice %arg2[%dma_wait3A_323, %dma_wait3A_334] : memref<3x1000000xf32, #tpu.memory_space<hbm>> -> memref<1x1000000xf32, #tpu.memory_space<hbm>>
    %dma_wait3A_336 = tpu.memref_squeeze %dma_wait3A_335 : memref<1x1000000xf32, #tpu.memory_space<hbm>> -> memref<1000000xf32, #tpu.memory_space<hbm>>
    %dma_wait3A_337 = arith.constant 0 : i32
    %dma_wait3A_338 = tpu.memref_slice %dma_wait3A_336[%dma_wait3A_337] : memref<1000000xf32, #tpu.memory_space<hbm>> -> memref<1000000xf32, #tpu.memory_space<hbm>>
    tpu.wait_indirect_dma semaphore(%arg9 : memref<!tpu.dma_semaphore, #tpu.memory_space<semaphore_mem>>) src(%dma_wait3A_338 : memref<1000000xf32, #tpu.memory_space<hbm>>) dst(%dma_wait3A_330 : memref<128xf32, #tpu.memory_space<vmem>>)
    %dma_wait3A_339 = arith.constant 2 : i32
    %dma_wait3A_340 = arith.constant 1 : i32
    %dma_wait3A_341 = arith.constant 2 : i32
    %dma_wait3A_342 = arith.constant 0 : i32
    %dma_wait3A_343 = tpu.memref_slice %arg8[%dma_wait3A_341, %dma_wait3A_342] : memref<3x512xf32, #tpu.memory_space<vmem>> -> memref<1x512xf32, #tpu.memory_space<vmem>>
    %dma_wait3A_344 = tpu.memref_squeeze %dma_wait3A_343 : memref<1x512xf32, #tpu.memory_space<vmem>> -> memref<512xf32, #tpu.memory_space<vmem>>
    %dma_wait3A_345 = arith.constant 128 : i32
    %dma_wait3A_346 = tpu.memref_slice %dma_wait3A_344[%dma_wait3A_345] : memref<512xf32, #tpu.memory_space<vmem>> -> memref<128xf32, #tpu.memory_space<vmem>>
    %dma_wait3A_347 = arith.constant 0 : i32
    %dma_wait3A_348 = tpu.memref_slice %arg7[%dma_wait3A_340, %dma_wait3A_347] : memref<4x128xi32, #tpu.memory_space<vmem>> -> memref<1x128xi32, #tpu.memory_space<vmem>>
    %dma_wait3A_349 = tpu.memref_squeeze %dma_wait3A_348 : memref<1x128xi32, #tpu.memory_space<vmem>> -> memref<128xi32, #tpu.memory_space<vmem>>
    %dma_wait3A_350 = arith.constant 0 : i32
    %dma_wait3A_351 = tpu.memref_slice %arg2[%dma_wait3A_339, %dma_wait3A_350] : memref<3x1000000xf32, #tpu.memory_space<hbm>> -> memref<1x1000000xf32, #tpu.memory_space<hbm>>
    %dma_wait3A_352 = tpu.memref_squeeze %dma_wait3A_351 : memref<1x1000000xf32, #tpu.memory_space<hbm>> -> memref<1000000xf32, #tpu.memory_space<hbm>>
    %dma_wait3A_353 = arith.constant 0 : i32
    %dma_wait3A_354 = tpu.memref_slice %dma_wait3A_352[%dma_wait3A_353] : memref<1000000xf32, #tpu.memory_space<hbm>> -> memref<1000000xf32, #tpu.memory_space<hbm>>
    tpu.wait_indirect_dma semaphore(%arg9 : memref<!tpu.dma_semaphore, #tpu.memory_space<semaphore_mem>>) src(%dma_wait3A_354 : memref<1000000xf32, #tpu.memory_space<hbm>>) dst(%dma_wait3A_346 : memref<128xf32, #tpu.memory_space<vmem>>)
    %dma_wait3A_355 = arith.constant 2 : i32
    %dma_wait3A_356 = arith.constant 2 : i32
    %dma_wait3A_357 = arith.constant 2 : i32
    %dma_wait3A_358 = arith.constant 0 : i32
    %dma_wait3A_359 = tpu.memref_slice %arg8[%dma_wait3A_357, %dma_wait3A_358] : memref<3x512xf32, #tpu.memory_space<vmem>> -> memref<1x512xf32, #tpu.memory_space<vmem>>
    %dma_wait3A_360 = tpu.memref_squeeze %dma_wait3A_359 : memref<1x512xf32, #tpu.memory_space<vmem>> -> memref<512xf32, #tpu.memory_space<vmem>>
    %dma_wait3A_361 = arith.constant 256 : i32
    %dma_wait3A_362 = tpu.memref_slice %dma_wait3A_360[%dma_wait3A_361] : memref<512xf32, #tpu.memory_space<vmem>> -> memref<128xf32, #tpu.memory_space<vmem>>
    %dma_wait3A_363 = arith.constant 0 : i32
    %dma_wait3A_364 = tpu.memref_slice %arg7[%dma_wait3A_356, %dma_wait3A_363] : memref<4x128xi32, #tpu.memory_space<vmem>> -> memref<1x128xi32, #tpu.memory_space<vmem>>
    %dma_wait3A_365 = tpu.memref_squeeze %dma_wait3A_364 : memref<1x128xi32, #tpu.memory_space<vmem>> -> memref<128xi32, #tpu.memory_space<vmem>>
    %dma_wait3A_366 = arith.constant 0 : i32
    %dma_wait3A_367 = tpu.memref_slice %arg2[%dma_wait3A_355, %dma_wait3A_366] : memref<3x1000000xf32, #tpu.memory_space<hbm>> -> memref<1x1000000xf32, #tpu.memory_space<hbm>>
    %dma_wait3A_368 = tpu.memref_squeeze %dma_wait3A_367 : memref<1x1000000xf32, #tpu.memory_space<hbm>> -> memref<1000000xf32, #tpu.memory_space<hbm>>
    %dma_wait3A_369 = arith.constant 0 : i32
    %dma_wait3A_370 = tpu.memref_slice %dma_wait3A_368[%dma_wait3A_369] : memref<1000000xf32, #tpu.memory_space<hbm>> -> memref<1000000xf32, #tpu.memory_space<hbm>>
    tpu.wait_indirect_dma semaphore(%arg9 : memref<!tpu.dma_semaphore, #tpu.memory_space<semaphore_mem>>) src(%dma_wait3A_370 : memref<1000000xf32, #tpu.memory_space<hbm>>) dst(%dma_wait3A_362 : memref<128xf32, #tpu.memory_space<vmem>>)
    %dma_wait3A_371 = arith.constant 2 : i32
    %dma_wait3A_372 = arith.constant 3 : i32
    %dma_wait3A_373 = arith.constant 2 : i32
    %dma_wait3A_374 = arith.constant 0 : i32
    %dma_wait3A_375 = tpu.memref_slice %arg8[%dma_wait3A_373, %dma_wait3A_374] : memref<3x512xf32, #tpu.memory_space<vmem>> -> memref<1x512xf32, #tpu.memory_space<vmem>>
    %dma_wait3A_376 = tpu.memref_squeeze %dma_wait3A_375 : memref<1x512xf32, #tpu.memory_space<vmem>> -> memref<512xf32, #tpu.memory_space<vmem>>
    %dma_wait3A_377 = arith.constant 384 : i32
    %dma_wait3A_378 = tpu.memref_slice %dma_wait3A_376[%dma_wait3A_377] : memref<512xf32, #tpu.memory_space<vmem>> -> memref<128xf32, #tpu.memory_space<vmem>>
    %dma_wait3A_379 = arith.constant 0 : i32
    %dma_wait3A_380 = tpu.memref_slice %arg7[%dma_wait3A_372, %dma_wait3A_379] : memref<4x128xi32, #tpu.memory_space<vmem>> -> memref<1x128xi32, #tpu.memory_space<vmem>>
    %dma_wait3A_381 = tpu.memref_squeeze %dma_wait3A_380 : memref<1x128xi32, #tpu.memory_space<vmem>> -> memref<128xi32, #tpu.memory_space<vmem>>
    %dma_wait3A_382 = arith.constant 0 : i32
    %dma_wait3A_383 = tpu.memref_slice %arg2[%dma_wait3A_371, %dma_wait3A_382] : memref<3x1000000xf32, #tpu.memory_space<hbm>> -> memref<1x1000000xf32, #tpu.memory_space<hbm>>
    %dma_wait3A_384 = tpu.memref_squeeze %dma_wait3A_383 : memref<1x1000000xf32, #tpu.memory_space<hbm>> -> memref<1000000xf32, #tpu.memory_space<hbm>>
    %dma_wait3A_385 = arith.constant 0 : i32
    %dma_wait3A_386 = tpu.memref_slice %dma_wait3A_384[%dma_wait3A_385] : memref<1000000xf32, #tpu.memory_space<hbm>> -> memref<1000000xf32, #tpu.memory_space<hbm>>
    tpu.wait_indirect_dma semaphore(%arg9 : memref<!tpu.dma_semaphore, #tpu.memory_space<semaphore_mem>>) src(%dma_wait3A_386 : memref<1000000xf32, #tpu.memory_space<hbm>>) dst(%dma_wait3A_378 : memref<128xf32, #tpu.memory_space<vmem>>)
    "tpu.region"() ({
      %run_scoped3A = tpu.sem_alloc : memref<!tpu.dma_semaphore, #tpu.memory_space<semaphore_mem>>
      %dma_start3A_389 = arith.constant 0 : i32
      %dma_start3A_390 = tpu.memref_slice %arg5[%dma_start3A_389, %mul3A_2] : memref<3x16384xf32, #tpu.memory_space<hbm>> -> memref<3x512xf32, #tpu.memory_space<hbm>>
      %dma_start3A_391 = arith.constant 0 : i32
      %dma_start3A_392 = tpu.memref_slice %arg5[%dma_start3A_391, %mul3A_2] : memref<3x16384xf32, #tpu.memory_space<hbm>> -> memref<3x512xf32, #tpu.memory_space<hbm>>
      tpu.enqueue_dma source(%arg8 : memref<3x512xf32, #tpu.memory_space<vmem>>) target(%dma_start3A_392 : memref<3x512xf32, #tpu.memory_space<hbm>>) target_semaphore(%run_scoped3A : memref<!tpu.dma_semaphore, #tpu.memory_space<semaphore_mem>>)
      %dma_wait3A_393 = arith.constant 0 : i32
      %dma_wait3A_394 = tpu.memref_slice %arg5[%dma_wait3A_393, %mul3A_2] : memref<3x16384xf32, #tpu.memory_space<hbm>> -> memref<3x512xf32, #tpu.memory_space<hbm>>
      %dma_wait3A_395 = arith.constant 0 : i32
      %dma_wait3A_396 = tpu.memref_slice %arg5[%dma_wait3A_395, %mul3A_2] : memref<3x16384xf32, #tpu.memory_space<hbm>> -> memref<3x512xf32, #tpu.memory_space<hbm>>
      tpu.wait_dma2 semaphore(%run_scoped3A : memref<!tpu.dma_semaphore, #tpu.memory_space<semaphore_mem>>) src(%arg8 : memref<3x512xf32, #tpu.memory_space<vmem>>) dst(%dma_wait3A_396 : memref<3x512xf32, #tpu.memory_space<hbm>>)
      tpu.yield
    }) : () -> ()
    %eq3A = arith.constant 0 : i32
    %eq3A_387 = arith.cmpi eq, %add3A, %eq3A : i32
    %convert_element_type3A = arith.extui %eq3A_387 : i1 to i32
    %cond3A = arith.constant 0 : i32
    %cond3A_388 = arith.cmpi ne, %convert_element_type3A, %cond3A : i32
    scf.if %cond3A_388 {
      "tpu.region"() ({
        %run_scoped3A = tpu.sem_alloc : memref<!tpu.dma_semaphore, #tpu.memory_space<semaphore_mem>>
        tpu.enqueue_dma source(%arg3 : memref<16xf32, #tpu.memory_space<hbm>>) target(%arg10 : memref<16xf32, #tpu.memory_space<vmem>>) target_semaphore(%run_scoped3A : memref<!tpu.dma_semaphore, #tpu.memory_space<semaphore_mem>>)
        tpu.wait_dma2 semaphore(%run_scoped3A : memref<!tpu.dma_semaphore, #tpu.memory_space<semaphore_mem>>) src(%arg3 : memref<16xf32, #tpu.memory_space<hbm>>) dst(%arg10 : memref<16xf32, #tpu.memory_space<vmem>>)
        tpu.yield
      }) : () -> ()
      %get3A = arith.constant 0 : index
      %get3A_389 = tpu.vector_load %arg10[%get3A] {strides = array<i32>} : memref<16xf32, #tpu.memory_space<vmem>>, vector<16xf32>,
      %get3A_390 = vector.shape_cast %get3A_389 : vector<16xf32> to vector<16xf32>
      %iota3A = tpu.iota {dimensions = array<i32: 0>} : vector<16xi32>
      %eq3A_391 = arith.constant 0 : i32
      %eq3A_392 = vector.broadcast %eq3A_391 : i32 to vector<16xi32>
      %eq3A_393 = arith.cmpi eq, %iota3A, %eq3A_392 : vector<16xi32>
      %jit3A = arith.constant 1.000000e+03 : f32
      %jit3A_394 = arith.constant 1.000000e+03 : f32
      %broadcast_in_dim3A = vector.broadcast %jit3A : f32 to vector<16xf32>
      %broadcast_in_dim3A_395 = vector.broadcast %jit3A_394 : f32 to vector<16xf32>
      %select_n3A = arith.select %eq3A_393, %broadcast_in_dim3A, %broadcast_in_dim3A_395 : vector<16xi1>, vector<16xf32>
      %mul3A_396 = arith.mulf %get3A_390, %get3A_390 : vector<16xf32>
      %mul3A_397 = arith.mulf %mul3A_396, %select_n3A : vector<16xf32>
      %swap3A = arith.constant 0 : index
      %swap3A_398 = tpu.vector_load %arg10[%swap3A] {strides = array<i32>} : memref<16xf32, #tpu.memory_space<vmem>>, vector<16xf32>,
      %swap3A_399 = vector.shape_cast %swap3A_398 : vector<16xf32> to vector<16xf32>
      %swap3A_400 = vector.shape_cast %mul3A_397 : vector<16xf32> to vector<16xf32>
      tpu.vector_store %arg10[%swap3A], %swap3A_400 {strides = array<i32>} : memref<16xf32, #tpu.memory_space<vmem>>, vector<16xf32>,
      "tpu.region"() ({
        %run_scoped3A = tpu.sem_alloc : memref<!tpu.dma_semaphore, #tpu.memory_space<semaphore_mem>>
        tpu.enqueue_dma source(%arg10 : memref<16xf32, #tpu.memory_space<vmem>>) target(%arg6 : memref<16xf32, #tpu.memory_space<hbm>>) target_semaphore(%run_scoped3A : memref<!tpu.dma_semaphore, #tpu.memory_space<semaphore_mem>>)
        tpu.wait_dma2 semaphore(%run_scoped3A : memref<!tpu.dma_semaphore, #tpu.memory_space<semaphore_mem>>) src(%arg10 : memref<16xf32, #tpu.memory_space<vmem>>) dst(%arg6 : memref<16xf32, #tpu.memory_space<hbm>>)
        tpu.yield
      }) : () -> ()
    } else {
    }
    return
  }
}

#map = affine_map<(d0, d1) -> (0, 0)>
module attributes {stable_mosaic.version = 14 : i64} {
  func.func @body(%arg0: i32, %arg1: i32, %arg2: memref<3x1000000xf32, #tpu.memory_space<hbm>>, %arg3: memref<128x128xi32, #tpu.memory_space<hbm>>, %arg4: memref<3x16384xf32, #tpu.memory_space<hbm>>, %arg5: memref<4x128xi32, #tpu.memory_space<vmem>>, %arg6: memref<3x512xf32, #tpu.memory_space<vmem>>, %arg7: memref<!tpu.dma_semaphore, #tpu.memory_space<semaphore_mem>>) attributes {dimension_semantics = [#tpu.dimension_semantics<core_parallel>, #tpu.dimension_semantics<subcore_parallel>], iteration_bounds = array<i64: 2, 16>, scalar_prefetch = 0 : i64, scratch_operands = 3 : i64, tpu.core_type = #tpu.core_type<sc_vector_subcore>, window_params = [{transform_indices = #map}, {transform_indices = #map}, {transform_indices = #map}]} {
    %mul3A = arith.constant 2 : i32
    %mul3A_0 = arith.muli %arg1, %mul3A : i32
    %add3A = arith.addi %mul3A_0, %arg0 : i32
    %mul3A_1 = arith.constant 512 : i32
    %mul3A_2 = arith.muli %add3A, %mul3A_1 : i32
    %mul3A_3 = arith.constant 4 : i32
    %mul3A_4 = arith.muli %add3A, %mul3A_3 : i32
    "tpu.region"() ({
      %run_scoped3A = tpu.sem_alloc : memref<!tpu.dma_semaphore, #tpu.memory_space<semaphore_mem>>
      %dma_start3A_387 = arith.constant 0 : i32
      %dma_start3A_388 = tpu.memref_slice %arg3[%mul3A_4, %dma_start3A_387] : memref<128x128xi32, #tpu.memory_space<hbm>> -> memref<4x128xi32, #tpu.memory_space<hbm>>
      %dma_start3A_389 = arith.constant 0 : i32
      %dma_start3A_390 = tpu.memref_slice %arg3[%mul3A_4, %dma_start3A_389] : memref<128x128xi32, #tpu.memory_space<hbm>> -> memref<4x128xi32, #tpu.memory_space<hbm>>
      tpu.enqueue_dma source(%dma_start3A_390 : memref<4x128xi32, #tpu.memory_space<hbm>>) target(%arg5 : memref<4x128xi32, #tpu.memory_space<vmem>>) target_semaphore(%run_scoped3A : memref<!tpu.dma_semaphore, #tpu.memory_space<semaphore_mem>>)
      %dma_wait3A_391 = arith.constant 0 : i32
      %dma_wait3A_392 = tpu.memref_slice %arg3[%mul3A_4, %dma_wait3A_391] : memref<128x128xi32, #tpu.memory_space<hbm>> -> memref<4x128xi32, #tpu.memory_space<hbm>>
      %dma_wait3A_393 = arith.constant 0 : i32
      %dma_wait3A_394 = tpu.memref_slice %arg3[%mul3A_4, %dma_wait3A_393] : memref<128x128xi32, #tpu.memory_space<hbm>> -> memref<4x128xi32, #tpu.memory_space<hbm>>
      tpu.wait_dma2 semaphore(%run_scoped3A : memref<!tpu.dma_semaphore, #tpu.memory_space<semaphore_mem>>) src(%dma_wait3A_394 : memref<4x128xi32, #tpu.memory_space<hbm>>) dst(%arg5 : memref<4x128xi32, #tpu.memory_space<vmem>>)
      tpu.yield
    }) : () -> ()
    %dma_start3A = arith.constant 0 : i32
    %dma_start3A_5 = arith.constant 0 : i32
    %dma_start3A_6 = arith.constant 0 : i32
    %dma_start3A_7 = arith.constant 0 : i32
    %dma_start3A_8 = tpu.memref_slice %arg6[%dma_start3A_6, %dma_start3A_7] : memref<3x512xf32, #tpu.memory_space<vmem>> -> memref<1x512xf32, #tpu.memory_space<vmem>>
    %dma_start3A_9 = tpu.memref_squeeze %dma_start3A_8 : memref<1x512xf32, #tpu.memory_space<vmem>> -> memref<512xf32, #tpu.memory_space<vmem>>
    %dma_start3A_10 = arith.constant 0 : i32
    %dma_start3A_11 = tpu.memref_slice %dma_start3A_9[%dma_start3A_10] : memref<512xf32, #tpu.memory_space<vmem>> -> memref<128xf32, #tpu.memory_space<vmem>>
    %dma_start3A_12 = arith.constant 0 : i32
    %dma_start3A_13 = tpu.memref_slice %arg5[%dma_start3A_5, %dma_start3A_12] : memref<4x128xi32, #tpu.memory_space<vmem>> -> memref<1x128xi32, #tpu.memory_space<vmem>>
    %dma_start3A_14 = tpu.memref_squeeze %dma_start3A_13 : memref<1x128xi32, #tpu.memory_space<vmem>> -> memref<128xi32, #tpu.memory_space<vmem>>
    %dma_start3A_15 = arith.constant 0 : i32
    %dma_start3A_16 = tpu.memref_slice %arg2[%dma_start3A, %dma_start3A_15] : memref<3x1000000xf32, #tpu.memory_space<hbm>> -> memref<1x1000000xf32, #tpu.memory_space<hbm>>
    %dma_start3A_17 = tpu.memref_squeeze %dma_start3A_16 : memref<1x1000000xf32, #tpu.memory_space<hbm>> -> memref<1000000xf32, #tpu.memory_space<hbm>>
    %dma_start3A_18 = arith.constant 0 : i32
    %dma_start3A_19 = tpu.memref_slice %dma_start3A_17[%dma_start3A_18] : memref<1000000xf32, #tpu.memory_space<hbm>> -> memref<1000000xf32, #tpu.memory_space<hbm>>
    tpu.enqueue_indirect_dma source(%dma_start3A_19 : memref<1000000xf32, #tpu.memory_space<hbm>>) target(%dma_start3A_11 : memref<128xf32, #tpu.memory_space<vmem>>) offsets(%dma_start3A_14 : memref<128xi32, #tpu.memory_space<vmem>>) semaphore(%arg7 : memref<!tpu.dma_semaphore, #tpu.memory_space<semaphore_mem>>)
    %dma_start3A_20 = arith.constant 0 : i32
    %dma_start3A_21 = arith.constant 1 : i32
    %dma_start3A_22 = arith.constant 0 : i32
    %dma_start3A_23 = arith.constant 0 : i32
    %dma_start3A_24 = tpu.memref_slice %arg6[%dma_start3A_22, %dma_start3A_23] : memref<3x512xf32, #tpu.memory_space<vmem>> -> memref<1x512xf32, #tpu.memory_space<vmem>>
    %dma_start3A_25 = tpu.memref_squeeze %dma_start3A_24 : memref<1x512xf32, #tpu.memory_space<vmem>> -> memref<512xf32, #tpu.memory_space<vmem>>
    %dma_start3A_26 = arith.constant 128 : i32
    %dma_start3A_27 = tpu.memref_slice %dma_start3A_25[%dma_start3A_26] : memref<512xf32, #tpu.memory_space<vmem>> -> memref<128xf32, #tpu.memory_space<vmem>>
    %dma_start3A_28 = arith.constant 0 : i32
    %dma_start3A_29 = tpu.memref_slice %arg5[%dma_start3A_21, %dma_start3A_28] : memref<4x128xi32, #tpu.memory_space<vmem>> -> memref<1x128xi32, #tpu.memory_space<vmem>>
    %dma_start3A_30 = tpu.memref_squeeze %dma_start3A_29 : memref<1x128xi32, #tpu.memory_space<vmem>> -> memref<128xi32, #tpu.memory_space<vmem>>
    %dma_start3A_31 = arith.constant 0 : i32
    %dma_start3A_32 = tpu.memref_slice %arg2[%dma_start3A_20, %dma_start3A_31] : memref<3x1000000xf32, #tpu.memory_space<hbm>> -> memref<1x1000000xf32, #tpu.memory_space<hbm>>
    %dma_start3A_33 = tpu.memref_squeeze %dma_start3A_32 : memref<1x1000000xf32, #tpu.memory_space<hbm>> -> memref<1000000xf32, #tpu.memory_space<hbm>>
    %dma_start3A_34 = arith.constant 0 : i32
    %dma_start3A_35 = tpu.memref_slice %dma_start3A_33[%dma_start3A_34] : memref<1000000xf32, #tpu.memory_space<hbm>> -> memref<1000000xf32, #tpu.memory_space<hbm>>
    tpu.enqueue_indirect_dma source(%dma_start3A_35 : memref<1000000xf32, #tpu.memory_space<hbm>>) target(%dma_start3A_27 : memref<128xf32, #tpu.memory_space<vmem>>) offsets(%dma_start3A_30 : memref<128xi32, #tpu.memory_space<vmem>>) semaphore(%arg7 : memref<!tpu.dma_semaphore, #tpu.memory_space<semaphore_mem>>)
    %dma_start3A_36 = arith.constant 0 : i32
    %dma_start3A_37 = arith.constant 2 : i32
    %dma_start3A_38 = arith.constant 0 : i32
    %dma_start3A_39 = arith.constant 0 : i32
    %dma_start3A_40 = tpu.memref_slice %arg6[%dma_start3A_38, %dma_start3A_39] : memref<3x512xf32, #tpu.memory_space<vmem>> -> memref<1x512xf32, #tpu.memory_space<vmem>>
    %dma_start3A_41 = tpu.memref_squeeze %dma_start3A_40 : memref<1x512xf32, #tpu.memory_space<vmem>> -> memref<512xf32, #tpu.memory_space<vmem>>
    %dma_start3A_42 = arith.constant 256 : i32
    %dma_start3A_43 = tpu.memref_slice %dma_start3A_41[%dma_start3A_42] : memref<512xf32, #tpu.memory_space<vmem>> -> memref<128xf32, #tpu.memory_space<vmem>>
    %dma_start3A_44 = arith.constant 0 : i32
    %dma_start3A_45 = tpu.memref_slice %arg5[%dma_start3A_37, %dma_start3A_44] : memref<4x128xi32, #tpu.memory_space<vmem>> -> memref<1x128xi32, #tpu.memory_space<vmem>>
    %dma_start3A_46 = tpu.memref_squeeze %dma_start3A_45 : memref<1x128xi32, #tpu.memory_space<vmem>> -> memref<128xi32, #tpu.memory_space<vmem>>
    %dma_start3A_47 = arith.constant 0 : i32
    %dma_start3A_48 = tpu.memref_slice %arg2[%dma_start3A_36, %dma_start3A_47] : memref<3x1000000xf32, #tpu.memory_space<hbm>> -> memref<1x1000000xf32, #tpu.memory_space<hbm>>
    %dma_start3A_49 = tpu.memref_squeeze %dma_start3A_48 : memref<1x1000000xf32, #tpu.memory_space<hbm>> -> memref<1000000xf32, #tpu.memory_space<hbm>>
    %dma_start3A_50 = arith.constant 0 : i32
    %dma_start3A_51 = tpu.memref_slice %dma_start3A_49[%dma_start3A_50] : memref<1000000xf32, #tpu.memory_space<hbm>> -> memref<1000000xf32, #tpu.memory_space<hbm>>
    tpu.enqueue_indirect_dma source(%dma_start3A_51 : memref<1000000xf32, #tpu.memory_space<hbm>>) target(%dma_start3A_43 : memref<128xf32, #tpu.memory_space<vmem>>) offsets(%dma_start3A_46 : memref<128xi32, #tpu.memory_space<vmem>>) semaphore(%arg7 : memref<!tpu.dma_semaphore, #tpu.memory_space<semaphore_mem>>)
    %dma_start3A_52 = arith.constant 0 : i32
    %dma_start3A_53 = arith.constant 3 : i32
    %dma_start3A_54 = arith.constant 0 : i32
    %dma_start3A_55 = arith.constant 0 : i32
    %dma_start3A_56 = tpu.memref_slice %arg6[%dma_start3A_54, %dma_start3A_55] : memref<3x512xf32, #tpu.memory_space<vmem>> -> memref<1x512xf32, #tpu.memory_space<vmem>>
    %dma_start3A_57 = tpu.memref_squeeze %dma_start3A_56 : memref<1x512xf32, #tpu.memory_space<vmem>> -> memref<512xf32, #tpu.memory_space<vmem>>
    %dma_start3A_58 = arith.constant 384 : i32
    %dma_start3A_59 = tpu.memref_slice %dma_start3A_57[%dma_start3A_58] : memref<512xf32, #tpu.memory_space<vmem>> -> memref<128xf32, #tpu.memory_space<vmem>>
    %dma_start3A_60 = arith.constant 0 : i32
    %dma_start3A_61 = tpu.memref_slice %arg5[%dma_start3A_53, %dma_start3A_60] : memref<4x128xi32, #tpu.memory_space<vmem>> -> memref<1x128xi32, #tpu.memory_space<vmem>>
    %dma_start3A_62 = tpu.memref_squeeze %dma_start3A_61 : memref<1x128xi32, #tpu.memory_space<vmem>> -> memref<128xi32, #tpu.memory_space<vmem>>
    %dma_start3A_63 = arith.constant 0 : i32
    %dma_start3A_64 = tpu.memref_slice %arg2[%dma_start3A_52, %dma_start3A_63] : memref<3x1000000xf32, #tpu.memory_space<hbm>> -> memref<1x1000000xf32, #tpu.memory_space<hbm>>
    %dma_start3A_65 = tpu.memref_squeeze %dma_start3A_64 : memref<1x1000000xf32, #tpu.memory_space<hbm>> -> memref<1000000xf32, #tpu.memory_space<hbm>>
    %dma_start3A_66 = arith.constant 0 : i32
    %dma_start3A_67 = tpu.memref_slice %dma_start3A_65[%dma_start3A_66] : memref<1000000xf32, #tpu.memory_space<hbm>> -> memref<1000000xf32, #tpu.memory_space<hbm>>
    tpu.enqueue_indirect_dma source(%dma_start3A_67 : memref<1000000xf32, #tpu.memory_space<hbm>>) target(%dma_start3A_59 : memref<128xf32, #tpu.memory_space<vmem>>) offsets(%dma_start3A_62 : memref<128xi32, #tpu.memory_space<vmem>>) semaphore(%arg7 : memref<!tpu.dma_semaphore, #tpu.memory_space<semaphore_mem>>)
    %dma_start3A_68 = arith.constant 1 : i32
    %dma_start3A_69 = arith.constant 0 : i32
    %dma_start3A_70 = arith.constant 1 : i32
    %dma_start3A_71 = arith.constant 0 : i32
    %dma_start3A_72 = tpu.memref_slice %arg6[%dma_start3A_70, %dma_start3A_71] : memref<3x512xf32, #tpu.memory_space<vmem>> -> memref<1x512xf32, #tpu.memory_space<vmem>>
    %dma_start3A_73 = tpu.memref_squeeze %dma_start3A_72 : memref<1x512xf32, #tpu.memory_space<vmem>> -> memref<512xf32, #tpu.memory_space<vmem>>
    %dma_start3A_74 = arith.constant 0 : i32
    %dma_start3A_75 = tpu.memref_slice %dma_start3A_73[%dma_start3A_74] : memref<512xf32, #tpu.memory_space<vmem>> -> memref<128xf32, #tpu.memory_space<vmem>>
    %dma_start3A_76 = arith.constant 0 : i32
    %dma_start3A_77 = tpu.memref_slice %arg5[%dma_start3A_69, %dma_start3A_76] : memref<4x128xi32, #tpu.memory_space<vmem>> -> memref<1x128xi32, #tpu.memory_space<vmem>>
    %dma_start3A_78 = tpu.memref_squeeze %dma_start3A_77 : memref<1x128xi32, #tpu.memory_space<vmem>> -> memref<128xi32, #tpu.memory_space<vmem>>
    %dma_start3A_79 = arith.constant 0 : i32
    %dma_start3A_80 = tpu.memref_slice %arg2[%dma_start3A_68, %dma_start3A_79] : memref<3x1000000xf32, #tpu.memory_space<hbm>> -> memref<1x1000000xf32, #tpu.memory_space<hbm>>
    %dma_start3A_81 = tpu.memref_squeeze %dma_start3A_80 : memref<1x1000000xf32, #tpu.memory_space<hbm>> -> memref<1000000xf32, #tpu.memory_space<hbm>>
    %dma_start3A_82 = arith.constant 0 : i32
    %dma_start3A_83 = tpu.memref_slice %dma_start3A_81[%dma_start3A_82] : memref<1000000xf32, #tpu.memory_space<hbm>> -> memref<1000000xf32, #tpu.memory_space<hbm>>
    tpu.enqueue_indirect_dma source(%dma_start3A_83 : memref<1000000xf32, #tpu.memory_space<hbm>>) target(%dma_start3A_75 : memref<128xf32, #tpu.memory_space<vmem>>) offsets(%dma_start3A_78 : memref<128xi32, #tpu.memory_space<vmem>>) semaphore(%arg7 : memref<!tpu.dma_semaphore, #tpu.memory_space<semaphore_mem>>)
    %dma_start3A_84 = arith.constant 1 : i32
    %dma_start3A_85 = arith.constant 1 : i32
    %dma_start3A_86 = arith.constant 1 : i32
    %dma_start3A_87 = arith.constant 0 : i32
    %dma_start3A_88 = tpu.memref_slice %arg6[%dma_start3A_86, %dma_start3A_87] : memref<3x512xf32, #tpu.memory_space<vmem>> -> memref<1x512xf32, #tpu.memory_space<vmem>>
    %dma_start3A_89 = tpu.memref_squeeze %dma_start3A_88 : memref<1x512xf32, #tpu.memory_space<vmem>> -> memref<512xf32, #tpu.memory_space<vmem>>
    %dma_start3A_90 = arith.constant 128 : i32
    %dma_start3A_91 = tpu.memref_slice %dma_start3A_89[%dma_start3A_90] : memref<512xf32, #tpu.memory_space<vmem>> -> memref<128xf32, #tpu.memory_space<vmem>>
    %dma_start3A_92 = arith.constant 0 : i32
    %dma_start3A_93 = tpu.memref_slice %arg5[%dma_start3A_85, %dma_start3A_92] : memref<4x128xi32, #tpu.memory_space<vmem>> -> memref<1x128xi32, #tpu.memory_space<vmem>>
    %dma_start3A_94 = tpu.memref_squeeze %dma_start3A_93 : memref<1x128xi32, #tpu.memory_space<vmem>> -> memref<128xi32, #tpu.memory_space<vmem>>
    %dma_start3A_95 = arith.constant 0 : i32
    %dma_start3A_96 = tpu.memref_slice %arg2[%dma_start3A_84, %dma_start3A_95] : memref<3x1000000xf32, #tpu.memory_space<hbm>> -> memref<1x1000000xf32, #tpu.memory_space<hbm>>
    %dma_start3A_97 = tpu.memref_squeeze %dma_start3A_96 : memref<1x1000000xf32, #tpu.memory_space<hbm>> -> memref<1000000xf32, #tpu.memory_space<hbm>>
    %dma_start3A_98 = arith.constant 0 : i32
    %dma_start3A_99 = tpu.memref_slice %dma_start3A_97[%dma_start3A_98] : memref<1000000xf32, #tpu.memory_space<hbm>> -> memref<1000000xf32, #tpu.memory_space<hbm>>
    tpu.enqueue_indirect_dma source(%dma_start3A_99 : memref<1000000xf32, #tpu.memory_space<hbm>>) target(%dma_start3A_91 : memref<128xf32, #tpu.memory_space<vmem>>) offsets(%dma_start3A_94 : memref<128xi32, #tpu.memory_space<vmem>>) semaphore(%arg7 : memref<!tpu.dma_semaphore, #tpu.memory_space<semaphore_mem>>)
    %dma_start3A_100 = arith.constant 1 : i32
    %dma_start3A_101 = arith.constant 2 : i32
    %dma_start3A_102 = arith.constant 1 : i32
    %dma_start3A_103 = arith.constant 0 : i32
    %dma_start3A_104 = tpu.memref_slice %arg6[%dma_start3A_102, %dma_start3A_103] : memref<3x512xf32, #tpu.memory_space<vmem>> -> memref<1x512xf32, #tpu.memory_space<vmem>>
    %dma_start3A_105 = tpu.memref_squeeze %dma_start3A_104 : memref<1x512xf32, #tpu.memory_space<vmem>> -> memref<512xf32, #tpu.memory_space<vmem>>
    %dma_start3A_106 = arith.constant 256 : i32
    %dma_start3A_107 = tpu.memref_slice %dma_start3A_105[%dma_start3A_106] : memref<512xf32, #tpu.memory_space<vmem>> -> memref<128xf32, #tpu.memory_space<vmem>>
    %dma_start3A_108 = arith.constant 0 : i32
    %dma_start3A_109 = tpu.memref_slice %arg5[%dma_start3A_101, %dma_start3A_108] : memref<4x128xi32, #tpu.memory_space<vmem>> -> memref<1x128xi32, #tpu.memory_space<vmem>>
    %dma_start3A_110 = tpu.memref_squeeze %dma_start3A_109 : memref<1x128xi32, #tpu.memory_space<vmem>> -> memref<128xi32, #tpu.memory_space<vmem>>
    %dma_start3A_111 = arith.constant 0 : i32
    %dma_start3A_112 = tpu.memref_slice %arg2[%dma_start3A_100, %dma_start3A_111] : memref<3x1000000xf32, #tpu.memory_space<hbm>> -> memref<1x1000000xf32, #tpu.memory_space<hbm>>
    %dma_start3A_113 = tpu.memref_squeeze %dma_start3A_112 : memref<1x1000000xf32, #tpu.memory_space<hbm>> -> memref<1000000xf32, #tpu.memory_space<hbm>>
    %dma_start3A_114 = arith.constant 0 : i32
    %dma_start3A_115 = tpu.memref_slice %dma_start3A_113[%dma_start3A_114] : memref<1000000xf32, #tpu.memory_space<hbm>> -> memref<1000000xf32, #tpu.memory_space<hbm>>
    tpu.enqueue_indirect_dma source(%dma_start3A_115 : memref<1000000xf32, #tpu.memory_space<hbm>>) target(%dma_start3A_107 : memref<128xf32, #tpu.memory_space<vmem>>) offsets(%dma_start3A_110 : memref<128xi32, #tpu.memory_space<vmem>>) semaphore(%arg7 : memref<!tpu.dma_semaphore, #tpu.memory_space<semaphore_mem>>)
    %dma_start3A_116 = arith.constant 1 : i32
    %dma_start3A_117 = arith.constant 3 : i32
    %dma_start3A_118 = arith.constant 1 : i32
    %dma_start3A_119 = arith.constant 0 : i32
    %dma_start3A_120 = tpu.memref_slice %arg6[%dma_start3A_118, %dma_start3A_119] : memref<3x512xf32, #tpu.memory_space<vmem>> -> memref<1x512xf32, #tpu.memory_space<vmem>>
    %dma_start3A_121 = tpu.memref_squeeze %dma_start3A_120 : memref<1x512xf32, #tpu.memory_space<vmem>> -> memref<512xf32, #tpu.memory_space<vmem>>
    %dma_start3A_122 = arith.constant 384 : i32
    %dma_start3A_123 = tpu.memref_slice %dma_start3A_121[%dma_start3A_122] : memref<512xf32, #tpu.memory_space<vmem>> -> memref<128xf32, #tpu.memory_space<vmem>>
    %dma_start3A_124 = arith.constant 0 : i32
    %dma_start3A_125 = tpu.memref_slice %arg5[%dma_start3A_117, %dma_start3A_124] : memref<4x128xi32, #tpu.memory_space<vmem>> -> memref<1x128xi32, #tpu.memory_space<vmem>>
    %dma_start3A_126 = tpu.memref_squeeze %dma_start3A_125 : memref<1x128xi32, #tpu.memory_space<vmem>> -> memref<128xi32, #tpu.memory_space<vmem>>
    %dma_start3A_127 = arith.constant 0 : i32
    %dma_start3A_128 = tpu.memref_slice %arg2[%dma_start3A_116, %dma_start3A_127] : memref<3x1000000xf32, #tpu.memory_space<hbm>> -> memref<1x1000000xf32, #tpu.memory_space<hbm>>
    %dma_start3A_129 = tpu.memref_squeeze %dma_start3A_128 : memref<1x1000000xf32, #tpu.memory_space<hbm>> -> memref<1000000xf32, #tpu.memory_space<hbm>>
    %dma_start3A_130 = arith.constant 0 : i32
    %dma_start3A_131 = tpu.memref_slice %dma_start3A_129[%dma_start3A_130] : memref<1000000xf32, #tpu.memory_space<hbm>> -> memref<1000000xf32, #tpu.memory_space<hbm>>
    tpu.enqueue_indirect_dma source(%dma_start3A_131 : memref<1000000xf32, #tpu.memory_space<hbm>>) target(%dma_start3A_123 : memref<128xf32, #tpu.memory_space<vmem>>) offsets(%dma_start3A_126 : memref<128xi32, #tpu.memory_space<vmem>>) semaphore(%arg7 : memref<!tpu.dma_semaphore, #tpu.memory_space<semaphore_mem>>)
    %dma_start3A_132 = arith.constant 2 : i32
    %dma_start3A_133 = arith.constant 0 : i32
    %dma_start3A_134 = arith.constant 2 : i32
    %dma_start3A_135 = arith.constant 0 : i32
    %dma_start3A_136 = tpu.memref_slice %arg6[%dma_start3A_134, %dma_start3A_135] : memref<3x512xf32, #tpu.memory_space<vmem>> -> memref<1x512xf32, #tpu.memory_space<vmem>>
    %dma_start3A_137 = tpu.memref_squeeze %dma_start3A_136 : memref<1x512xf32, #tpu.memory_space<vmem>> -> memref<512xf32, #tpu.memory_space<vmem>>
    %dma_start3A_138 = arith.constant 0 : i32
    %dma_start3A_139 = tpu.memref_slice %dma_start3A_137[%dma_start3A_138] : memref<512xf32, #tpu.memory_space<vmem>> -> memref<128xf32, #tpu.memory_space<vmem>>
    %dma_start3A_140 = arith.constant 0 : i32
    %dma_start3A_141 = tpu.memref_slice %arg5[%dma_start3A_133, %dma_start3A_140] : memref<4x128xi32, #tpu.memory_space<vmem>> -> memref<1x128xi32, #tpu.memory_space<vmem>>
    %dma_start3A_142 = tpu.memref_squeeze %dma_start3A_141 : memref<1x128xi32, #tpu.memory_space<vmem>> -> memref<128xi32, #tpu.memory_space<vmem>>
    %dma_start3A_143 = arith.constant 0 : i32
    %dma_start3A_144 = tpu.memref_slice %arg2[%dma_start3A_132, %dma_start3A_143] : memref<3x1000000xf32, #tpu.memory_space<hbm>> -> memref<1x1000000xf32, #tpu.memory_space<hbm>>
    %dma_start3A_145 = tpu.memref_squeeze %dma_start3A_144 : memref<1x1000000xf32, #tpu.memory_space<hbm>> -> memref<1000000xf32, #tpu.memory_space<hbm>>
    %dma_start3A_146 = arith.constant 0 : i32
    %dma_start3A_147 = tpu.memref_slice %dma_start3A_145[%dma_start3A_146] : memref<1000000xf32, #tpu.memory_space<hbm>> -> memref<1000000xf32, #tpu.memory_space<hbm>>
    tpu.enqueue_indirect_dma source(%dma_start3A_147 : memref<1000000xf32, #tpu.memory_space<hbm>>) target(%dma_start3A_139 : memref<128xf32, #tpu.memory_space<vmem>>) offsets(%dma_start3A_142 : memref<128xi32, #tpu.memory_space<vmem>>) semaphore(%arg7 : memref<!tpu.dma_semaphore, #tpu.memory_space<semaphore_mem>>)
    %dma_start3A_148 = arith.constant 2 : i32
    %dma_start3A_149 = arith.constant 1 : i32
    %dma_start3A_150 = arith.constant 2 : i32
    %dma_start3A_151 = arith.constant 0 : i32
    %dma_start3A_152 = tpu.memref_slice %arg6[%dma_start3A_150, %dma_start3A_151] : memref<3x512xf32, #tpu.memory_space<vmem>> -> memref<1x512xf32, #tpu.memory_space<vmem>>
    %dma_start3A_153 = tpu.memref_squeeze %dma_start3A_152 : memref<1x512xf32, #tpu.memory_space<vmem>> -> memref<512xf32, #tpu.memory_space<vmem>>
    %dma_start3A_154 = arith.constant 128 : i32
    %dma_start3A_155 = tpu.memref_slice %dma_start3A_153[%dma_start3A_154] : memref<512xf32, #tpu.memory_space<vmem>> -> memref<128xf32, #tpu.memory_space<vmem>>
    %dma_start3A_156 = arith.constant 0 : i32
    %dma_start3A_157 = tpu.memref_slice %arg5[%dma_start3A_149, %dma_start3A_156] : memref<4x128xi32, #tpu.memory_space<vmem>> -> memref<1x128xi32, #tpu.memory_space<vmem>>
    %dma_start3A_158 = tpu.memref_squeeze %dma_start3A_157 : memref<1x128xi32, #tpu.memory_space<vmem>> -> memref<128xi32, #tpu.memory_space<vmem>>
    %dma_start3A_159 = arith.constant 0 : i32
    %dma_start3A_160 = tpu.memref_slice %arg2[%dma_start3A_148, %dma_start3A_159] : memref<3x1000000xf32, #tpu.memory_space<hbm>> -> memref<1x1000000xf32, #tpu.memory_space<hbm>>
    %dma_start3A_161 = tpu.memref_squeeze %dma_start3A_160 : memref<1x1000000xf32, #tpu.memory_space<hbm>> -> memref<1000000xf32, #tpu.memory_space<hbm>>
    %dma_start3A_162 = arith.constant 0 : i32
    %dma_start3A_163 = tpu.memref_slice %dma_start3A_161[%dma_start3A_162] : memref<1000000xf32, #tpu.memory_space<hbm>> -> memref<1000000xf32, #tpu.memory_space<hbm>>
    tpu.enqueue_indirect_dma source(%dma_start3A_163 : memref<1000000xf32, #tpu.memory_space<hbm>>) target(%dma_start3A_155 : memref<128xf32, #tpu.memory_space<vmem>>) offsets(%dma_start3A_158 : memref<128xi32, #tpu.memory_space<vmem>>) semaphore(%arg7 : memref<!tpu.dma_semaphore, #tpu.memory_space<semaphore_mem>>)
    %dma_start3A_164 = arith.constant 2 : i32
    %dma_start3A_165 = arith.constant 2 : i32
    %dma_start3A_166 = arith.constant 2 : i32
    %dma_start3A_167 = arith.constant 0 : i32
    %dma_start3A_168 = tpu.memref_slice %arg6[%dma_start3A_166, %dma_start3A_167] : memref<3x512xf32, #tpu.memory_space<vmem>> -> memref<1x512xf32, #tpu.memory_space<vmem>>
    %dma_start3A_169 = tpu.memref_squeeze %dma_start3A_168 : memref<1x512xf32, #tpu.memory_space<vmem>> -> memref<512xf32, #tpu.memory_space<vmem>>
    %dma_start3A_170 = arith.constant 256 : i32
    %dma_start3A_171 = tpu.memref_slice %dma_start3A_169[%dma_start3A_170] : memref<512xf32, #tpu.memory_space<vmem>> -> memref<128xf32, #tpu.memory_space<vmem>>
    %dma_start3A_172 = arith.constant 0 : i32
    %dma_start3A_173 = tpu.memref_slice %arg5[%dma_start3A_165, %dma_start3A_172] : memref<4x128xi32, #tpu.memory_space<vmem>> -> memref<1x128xi32, #tpu.memory_space<vmem>>
    %dma_start3A_174 = tpu.memref_squeeze %dma_start3A_173 : memref<1x128xi32, #tpu.memory_space<vmem>> -> memref<128xi32, #tpu.memory_space<vmem>>
    %dma_start3A_175 = arith.constant 0 : i32
    %dma_start3A_176 = tpu.memref_slice %arg2[%dma_start3A_164, %dma_start3A_175] : memref<3x1000000xf32, #tpu.memory_space<hbm>> -> memref<1x1000000xf32, #tpu.memory_space<hbm>>
    %dma_start3A_177 = tpu.memref_squeeze %dma_start3A_176 : memref<1x1000000xf32, #tpu.memory_space<hbm>> -> memref<1000000xf32, #tpu.memory_space<hbm>>
    %dma_start3A_178 = arith.constant 0 : i32
    %dma_start3A_179 = tpu.memref_slice %dma_start3A_177[%dma_start3A_178] : memref<1000000xf32, #tpu.memory_space<hbm>> -> memref<1000000xf32, #tpu.memory_space<hbm>>
    tpu.enqueue_indirect_dma source(%dma_start3A_179 : memref<1000000xf32, #tpu.memory_space<hbm>>) target(%dma_start3A_171 : memref<128xf32, #tpu.memory_space<vmem>>) offsets(%dma_start3A_174 : memref<128xi32, #tpu.memory_space<vmem>>) semaphore(%arg7 : memref<!tpu.dma_semaphore, #tpu.memory_space<semaphore_mem>>)
    %dma_start3A_180 = arith.constant 2 : i32
    %dma_start3A_181 = arith.constant 3 : i32
    %dma_start3A_182 = arith.constant 2 : i32
    %dma_start3A_183 = arith.constant 0 : i32
    %dma_start3A_184 = tpu.memref_slice %arg6[%dma_start3A_182, %dma_start3A_183] : memref<3x512xf32, #tpu.memory_space<vmem>> -> memref<1x512xf32, #tpu.memory_space<vmem>>
    %dma_start3A_185 = tpu.memref_squeeze %dma_start3A_184 : memref<1x512xf32, #tpu.memory_space<vmem>> -> memref<512xf32, #tpu.memory_space<vmem>>
    %dma_start3A_186 = arith.constant 384 : i32
    %dma_start3A_187 = tpu.memref_slice %dma_start3A_185[%dma_start3A_186] : memref<512xf32, #tpu.memory_space<vmem>> -> memref<128xf32, #tpu.memory_space<vmem>>
    %dma_start3A_188 = arith.constant 0 : i32
    %dma_start3A_189 = tpu.memref_slice %arg5[%dma_start3A_181, %dma_start3A_188] : memref<4x128xi32, #tpu.memory_space<vmem>> -> memref<1x128xi32, #tpu.memory_space<vmem>>
    %dma_start3A_190 = tpu.memref_squeeze %dma_start3A_189 : memref<1x128xi32, #tpu.memory_space<vmem>> -> memref<128xi32, #tpu.memory_space<vmem>>
    %dma_start3A_191 = arith.constant 0 : i32
    %dma_start3A_192 = tpu.memref_slice %arg2[%dma_start3A_180, %dma_start3A_191] : memref<3x1000000xf32, #tpu.memory_space<hbm>> -> memref<1x1000000xf32, #tpu.memory_space<hbm>>
    %dma_start3A_193 = tpu.memref_squeeze %dma_start3A_192 : memref<1x1000000xf32, #tpu.memory_space<hbm>> -> memref<1000000xf32, #tpu.memory_space<hbm>>
    %dma_start3A_194 = arith.constant 0 : i32
    %dma_start3A_195 = tpu.memref_slice %dma_start3A_193[%dma_start3A_194] : memref<1000000xf32, #tpu.memory_space<hbm>> -> memref<1000000xf32, #tpu.memory_space<hbm>>
    tpu.enqueue_indirect_dma source(%dma_start3A_195 : memref<1000000xf32, #tpu.memory_space<hbm>>) target(%dma_start3A_187 : memref<128xf32, #tpu.memory_space<vmem>>) offsets(%dma_start3A_190 : memref<128xi32, #tpu.memory_space<vmem>>) semaphore(%arg7 : memref<!tpu.dma_semaphore, #tpu.memory_space<semaphore_mem>>)
    %dma_wait3A = arith.constant 0 : i32
    %dma_wait3A_196 = arith.constant 0 : i32
    %dma_wait3A_197 = arith.constant 0 : i32
    %dma_wait3A_198 = arith.constant 0 : i32
    %dma_wait3A_199 = tpu.memref_slice %arg6[%dma_wait3A_197, %dma_wait3A_198] : memref<3x512xf32, #tpu.memory_space<vmem>> -> memref<1x512xf32, #tpu.memory_space<vmem>>
    %dma_wait3A_200 = tpu.memref_squeeze %dma_wait3A_199 : memref<1x512xf32, #tpu.memory_space<vmem>> -> memref<512xf32, #tpu.memory_space<vmem>>
    %dma_wait3A_201 = arith.constant 0 : i32
    %dma_wait3A_202 = tpu.memref_slice %dma_wait3A_200[%dma_wait3A_201] : memref<512xf32, #tpu.memory_space<vmem>> -> memref<128xf32, #tpu.memory_space<vmem>>
    %dma_wait3A_203 = arith.constant 0 : i32
    %dma_wait3A_204 = tpu.memref_slice %arg5[%dma_wait3A_196, %dma_wait3A_203] : memref<4x128xi32, #tpu.memory_space<vmem>> -> memref<1x128xi32, #tpu.memory_space<vmem>>
    %dma_wait3A_205 = tpu.memref_squeeze %dma_wait3A_204 : memref<1x128xi32, #tpu.memory_space<vmem>> -> memref<128xi32, #tpu.memory_space<vmem>>
    %dma_wait3A_206 = arith.constant 0 : i32
    %dma_wait3A_207 = tpu.memref_slice %arg2[%dma_wait3A, %dma_wait3A_206] : memref<3x1000000xf32, #tpu.memory_space<hbm>> -> memref<1x1000000xf32, #tpu.memory_space<hbm>>
    %dma_wait3A_208 = tpu.memref_squeeze %dma_wait3A_207 : memref<1x1000000xf32, #tpu.memory_space<hbm>> -> memref<1000000xf32, #tpu.memory_space<hbm>>
    %dma_wait3A_209 = arith.constant 0 : i32
    %dma_wait3A_210 = tpu.memref_slice %dma_wait3A_208[%dma_wait3A_209] : memref<1000000xf32, #tpu.memory_space<hbm>> -> memref<1000000xf32, #tpu.memory_space<hbm>>
    tpu.wait_indirect_dma semaphore(%arg7 : memref<!tpu.dma_semaphore, #tpu.memory_space<semaphore_mem>>) src(%dma_wait3A_210 : memref<1000000xf32, #tpu.memory_space<hbm>>) dst(%dma_wait3A_202 : memref<128xf32, #tpu.memory_space<vmem>>)
    %dma_wait3A_211 = arith.constant 0 : i32
    %dma_wait3A_212 = arith.constant 1 : i32
    %dma_wait3A_213 = arith.constant 0 : i32
    %dma_wait3A_214 = arith.constant 0 : i32
    %dma_wait3A_215 = tpu.memref_slice %arg6[%dma_wait3A_213, %dma_wait3A_214] : memref<3x512xf32, #tpu.memory_space<vmem>> -> memref<1x512xf32, #tpu.memory_space<vmem>>
    %dma_wait3A_216 = tpu.memref_squeeze %dma_wait3A_215 : memref<1x512xf32, #tpu.memory_space<vmem>> -> memref<512xf32, #tpu.memory_space<vmem>>
    %dma_wait3A_217 = arith.constant 128 : i32
    %dma_wait3A_218 = tpu.memref_slice %dma_wait3A_216[%dma_wait3A_217] : memref<512xf32, #tpu.memory_space<vmem>> -> memref<128xf32, #tpu.memory_space<vmem>>
    %dma_wait3A_219 = arith.constant 0 : i32
    %dma_wait3A_220 = tpu.memref_slice %arg5[%dma_wait3A_212, %dma_wait3A_219] : memref<4x128xi32, #tpu.memory_space<vmem>> -> memref<1x128xi32, #tpu.memory_space<vmem>>
    %dma_wait3A_221 = tpu.memref_squeeze %dma_wait3A_220 : memref<1x128xi32, #tpu.memory_space<vmem>> -> memref<128xi32, #tpu.memory_space<vmem>>
    %dma_wait3A_222 = arith.constant 0 : i32
    %dma_wait3A_223 = tpu.memref_slice %arg2[%dma_wait3A_211, %dma_wait3A_222] : memref<3x1000000xf32, #tpu.memory_space<hbm>> -> memref<1x1000000xf32, #tpu.memory_space<hbm>>
    %dma_wait3A_224 = tpu.memref_squeeze %dma_wait3A_223 : memref<1x1000000xf32, #tpu.memory_space<hbm>> -> memref<1000000xf32, #tpu.memory_space<hbm>>
    %dma_wait3A_225 = arith.constant 0 : i32
    %dma_wait3A_226 = tpu.memref_slice %dma_wait3A_224[%dma_wait3A_225] : memref<1000000xf32, #tpu.memory_space<hbm>> -> memref<1000000xf32, #tpu.memory_space<hbm>>
    tpu.wait_indirect_dma semaphore(%arg7 : memref<!tpu.dma_semaphore, #tpu.memory_space<semaphore_mem>>) src(%dma_wait3A_226 : memref<1000000xf32, #tpu.memory_space<hbm>>) dst(%dma_wait3A_218 : memref<128xf32, #tpu.memory_space<vmem>>)
    %dma_wait3A_227 = arith.constant 0 : i32
    %dma_wait3A_228 = arith.constant 2 : i32
    %dma_wait3A_229 = arith.constant 0 : i32
    %dma_wait3A_230 = arith.constant 0 : i32
    %dma_wait3A_231 = tpu.memref_slice %arg6[%dma_wait3A_229, %dma_wait3A_230] : memref<3x512xf32, #tpu.memory_space<vmem>> -> memref<1x512xf32, #tpu.memory_space<vmem>>
    %dma_wait3A_232 = tpu.memref_squeeze %dma_wait3A_231 : memref<1x512xf32, #tpu.memory_space<vmem>> -> memref<512xf32, #tpu.memory_space<vmem>>
    %dma_wait3A_233 = arith.constant 256 : i32
    %dma_wait3A_234 = tpu.memref_slice %dma_wait3A_232[%dma_wait3A_233] : memref<512xf32, #tpu.memory_space<vmem>> -> memref<128xf32, #tpu.memory_space<vmem>>
    %dma_wait3A_235 = arith.constant 0 : i32
    %dma_wait3A_236 = tpu.memref_slice %arg5[%dma_wait3A_228, %dma_wait3A_235] : memref<4x128xi32, #tpu.memory_space<vmem>> -> memref<1x128xi32, #tpu.memory_space<vmem>>
    %dma_wait3A_237 = tpu.memref_squeeze %dma_wait3A_236 : memref<1x128xi32, #tpu.memory_space<vmem>> -> memref<128xi32, #tpu.memory_space<vmem>>
    %dma_wait3A_238 = arith.constant 0 : i32
    %dma_wait3A_239 = tpu.memref_slice %arg2[%dma_wait3A_227, %dma_wait3A_238] : memref<3x1000000xf32, #tpu.memory_space<hbm>> -> memref<1x1000000xf32, #tpu.memory_space<hbm>>
    %dma_wait3A_240 = tpu.memref_squeeze %dma_wait3A_239 : memref<1x1000000xf32, #tpu.memory_space<hbm>> -> memref<1000000xf32, #tpu.memory_space<hbm>>
    %dma_wait3A_241 = arith.constant 0 : i32
    %dma_wait3A_242 = tpu.memref_slice %dma_wait3A_240[%dma_wait3A_241] : memref<1000000xf32, #tpu.memory_space<hbm>> -> memref<1000000xf32, #tpu.memory_space<hbm>>
    tpu.wait_indirect_dma semaphore(%arg7 : memref<!tpu.dma_semaphore, #tpu.memory_space<semaphore_mem>>) src(%dma_wait3A_242 : memref<1000000xf32, #tpu.memory_space<hbm>>) dst(%dma_wait3A_234 : memref<128xf32, #tpu.memory_space<vmem>>)
    %dma_wait3A_243 = arith.constant 0 : i32
    %dma_wait3A_244 = arith.constant 3 : i32
    %dma_wait3A_245 = arith.constant 0 : i32
    %dma_wait3A_246 = arith.constant 0 : i32
    %dma_wait3A_247 = tpu.memref_slice %arg6[%dma_wait3A_245, %dma_wait3A_246] : memref<3x512xf32, #tpu.memory_space<vmem>> -> memref<1x512xf32, #tpu.memory_space<vmem>>
    %dma_wait3A_248 = tpu.memref_squeeze %dma_wait3A_247 : memref<1x512xf32, #tpu.memory_space<vmem>> -> memref<512xf32, #tpu.memory_space<vmem>>
    %dma_wait3A_249 = arith.constant 384 : i32
    %dma_wait3A_250 = tpu.memref_slice %dma_wait3A_248[%dma_wait3A_249] : memref<512xf32, #tpu.memory_space<vmem>> -> memref<128xf32, #tpu.memory_space<vmem>>
    %dma_wait3A_251 = arith.constant 0 : i32
    %dma_wait3A_252 = tpu.memref_slice %arg5[%dma_wait3A_244, %dma_wait3A_251] : memref<4x128xi32, #tpu.memory_space<vmem>> -> memref<1x128xi32, #tpu.memory_space<vmem>>
    %dma_wait3A_253 = tpu.memref_squeeze %dma_wait3A_252 : memref<1x128xi32, #tpu.memory_space<vmem>> -> memref<128xi32, #tpu.memory_space<vmem>>
    %dma_wait3A_254 = arith.constant 0 : i32
    %dma_wait3A_255 = tpu.memref_slice %arg2[%dma_wait3A_243, %dma_wait3A_254] : memref<3x1000000xf32, #tpu.memory_space<hbm>> -> memref<1x1000000xf32, #tpu.memory_space<hbm>>
    %dma_wait3A_256 = tpu.memref_squeeze %dma_wait3A_255 : memref<1x1000000xf32, #tpu.memory_space<hbm>> -> memref<1000000xf32, #tpu.memory_space<hbm>>
    %dma_wait3A_257 = arith.constant 0 : i32
    %dma_wait3A_258 = tpu.memref_slice %dma_wait3A_256[%dma_wait3A_257] : memref<1000000xf32, #tpu.memory_space<hbm>> -> memref<1000000xf32, #tpu.memory_space<hbm>>
    tpu.wait_indirect_dma semaphore(%arg7 : memref<!tpu.dma_semaphore, #tpu.memory_space<semaphore_mem>>) src(%dma_wait3A_258 : memref<1000000xf32, #tpu.memory_space<hbm>>) dst(%dma_wait3A_250 : memref<128xf32, #tpu.memory_space<vmem>>)
    %dma_wait3A_259 = arith.constant 1 : i32
    %dma_wait3A_260 = arith.constant 0 : i32
    %dma_wait3A_261 = arith.constant 1 : i32
    %dma_wait3A_262 = arith.constant 0 : i32
    %dma_wait3A_263 = tpu.memref_slice %arg6[%dma_wait3A_261, %dma_wait3A_262] : memref<3x512xf32, #tpu.memory_space<vmem>> -> memref<1x512xf32, #tpu.memory_space<vmem>>
    %dma_wait3A_264 = tpu.memref_squeeze %dma_wait3A_263 : memref<1x512xf32, #tpu.memory_space<vmem>> -> memref<512xf32, #tpu.memory_space<vmem>>
    %dma_wait3A_265 = arith.constant 0 : i32
    %dma_wait3A_266 = tpu.memref_slice %dma_wait3A_264[%dma_wait3A_265] : memref<512xf32, #tpu.memory_space<vmem>> -> memref<128xf32, #tpu.memory_space<vmem>>
    %dma_wait3A_267 = arith.constant 0 : i32
    %dma_wait3A_268 = tpu.memref_slice %arg5[%dma_wait3A_260, %dma_wait3A_267] : memref<4x128xi32, #tpu.memory_space<vmem>> -> memref<1x128xi32, #tpu.memory_space<vmem>>
    %dma_wait3A_269 = tpu.memref_squeeze %dma_wait3A_268 : memref<1x128xi32, #tpu.memory_space<vmem>> -> memref<128xi32, #tpu.memory_space<vmem>>
    %dma_wait3A_270 = arith.constant 0 : i32
    %dma_wait3A_271 = tpu.memref_slice %arg2[%dma_wait3A_259, %dma_wait3A_270] : memref<3x1000000xf32, #tpu.memory_space<hbm>> -> memref<1x1000000xf32, #tpu.memory_space<hbm>>
    %dma_wait3A_272 = tpu.memref_squeeze %dma_wait3A_271 : memref<1x1000000xf32, #tpu.memory_space<hbm>> -> memref<1000000xf32, #tpu.memory_space<hbm>>
    %dma_wait3A_273 = arith.constant 0 : i32
    %dma_wait3A_274 = tpu.memref_slice %dma_wait3A_272[%dma_wait3A_273] : memref<1000000xf32, #tpu.memory_space<hbm>> -> memref<1000000xf32, #tpu.memory_space<hbm>>
    tpu.wait_indirect_dma semaphore(%arg7 : memref<!tpu.dma_semaphore, #tpu.memory_space<semaphore_mem>>) src(%dma_wait3A_274 : memref<1000000xf32, #tpu.memory_space<hbm>>) dst(%dma_wait3A_266 : memref<128xf32, #tpu.memory_space<vmem>>)
    %dma_wait3A_275 = arith.constant 1 : i32
    %dma_wait3A_276 = arith.constant 1 : i32
    %dma_wait3A_277 = arith.constant 1 : i32
    %dma_wait3A_278 = arith.constant 0 : i32
    %dma_wait3A_279 = tpu.memref_slice %arg6[%dma_wait3A_277, %dma_wait3A_278] : memref<3x512xf32, #tpu.memory_space<vmem>> -> memref<1x512xf32, #tpu.memory_space<vmem>>
    %dma_wait3A_280 = tpu.memref_squeeze %dma_wait3A_279 : memref<1x512xf32, #tpu.memory_space<vmem>> -> memref<512xf32, #tpu.memory_space<vmem>>
    %dma_wait3A_281 = arith.constant 128 : i32
    %dma_wait3A_282 = tpu.memref_slice %dma_wait3A_280[%dma_wait3A_281] : memref<512xf32, #tpu.memory_space<vmem>> -> memref<128xf32, #tpu.memory_space<vmem>>
    %dma_wait3A_283 = arith.constant 0 : i32
    %dma_wait3A_284 = tpu.memref_slice %arg5[%dma_wait3A_276, %dma_wait3A_283] : memref<4x128xi32, #tpu.memory_space<vmem>> -> memref<1x128xi32, #tpu.memory_space<vmem>>
    %dma_wait3A_285 = tpu.memref_squeeze %dma_wait3A_284 : memref<1x128xi32, #tpu.memory_space<vmem>> -> memref<128xi32, #tpu.memory_space<vmem>>
    %dma_wait3A_286 = arith.constant 0 : i32
    %dma_wait3A_287 = tpu.memref_slice %arg2[%dma_wait3A_275, %dma_wait3A_286] : memref<3x1000000xf32, #tpu.memory_space<hbm>> -> memref<1x1000000xf32, #tpu.memory_space<hbm>>
    %dma_wait3A_288 = tpu.memref_squeeze %dma_wait3A_287 : memref<1x1000000xf32, #tpu.memory_space<hbm>> -> memref<1000000xf32, #tpu.memory_space<hbm>>
    %dma_wait3A_289 = arith.constant 0 : i32
    %dma_wait3A_290 = tpu.memref_slice %dma_wait3A_288[%dma_wait3A_289] : memref<1000000xf32, #tpu.memory_space<hbm>> -> memref<1000000xf32, #tpu.memory_space<hbm>>
    tpu.wait_indirect_dma semaphore(%arg7 : memref<!tpu.dma_semaphore, #tpu.memory_space<semaphore_mem>>) src(%dma_wait3A_290 : memref<1000000xf32, #tpu.memory_space<hbm>>) dst(%dma_wait3A_282 : memref<128xf32, #tpu.memory_space<vmem>>)
    %dma_wait3A_291 = arith.constant 1 : i32
    %dma_wait3A_292 = arith.constant 2 : i32
    %dma_wait3A_293 = arith.constant 1 : i32
    %dma_wait3A_294 = arith.constant 0 : i32
    %dma_wait3A_295 = tpu.memref_slice %arg6[%dma_wait3A_293, %dma_wait3A_294] : memref<3x512xf32, #tpu.memory_space<vmem>> -> memref<1x512xf32, #tpu.memory_space<vmem>>
    %dma_wait3A_296 = tpu.memref_squeeze %dma_wait3A_295 : memref<1x512xf32, #tpu.memory_space<vmem>> -> memref<512xf32, #tpu.memory_space<vmem>>
    %dma_wait3A_297 = arith.constant 256 : i32
    %dma_wait3A_298 = tpu.memref_slice %dma_wait3A_296[%dma_wait3A_297] : memref<512xf32, #tpu.memory_space<vmem>> -> memref<128xf32, #tpu.memory_space<vmem>>
    %dma_wait3A_299 = arith.constant 0 : i32
    %dma_wait3A_300 = tpu.memref_slice %arg5[%dma_wait3A_292, %dma_wait3A_299] : memref<4x128xi32, #tpu.memory_space<vmem>> -> memref<1x128xi32, #tpu.memory_space<vmem>>
    %dma_wait3A_301 = tpu.memref_squeeze %dma_wait3A_300 : memref<1x128xi32, #tpu.memory_space<vmem>> -> memref<128xi32, #tpu.memory_space<vmem>>
    %dma_wait3A_302 = arith.constant 0 : i32
    %dma_wait3A_303 = tpu.memref_slice %arg2[%dma_wait3A_291, %dma_wait3A_302] : memref<3x1000000xf32, #tpu.memory_space<hbm>> -> memref<1x1000000xf32, #tpu.memory_space<hbm>>
    %dma_wait3A_304 = tpu.memref_squeeze %dma_wait3A_303 : memref<1x1000000xf32, #tpu.memory_space<hbm>> -> memref<1000000xf32, #tpu.memory_space<hbm>>
    %dma_wait3A_305 = arith.constant 0 : i32
    %dma_wait3A_306 = tpu.memref_slice %dma_wait3A_304[%dma_wait3A_305] : memref<1000000xf32, #tpu.memory_space<hbm>> -> memref<1000000xf32, #tpu.memory_space<hbm>>
    tpu.wait_indirect_dma semaphore(%arg7 : memref<!tpu.dma_semaphore, #tpu.memory_space<semaphore_mem>>) src(%dma_wait3A_306 : memref<1000000xf32, #tpu.memory_space<hbm>>) dst(%dma_wait3A_298 : memref<128xf32, #tpu.memory_space<vmem>>)
    %dma_wait3A_307 = arith.constant 1 : i32
    %dma_wait3A_308 = arith.constant 3 : i32
    %dma_wait3A_309 = arith.constant 1 : i32
    %dma_wait3A_310 = arith.constant 0 : i32
    %dma_wait3A_311 = tpu.memref_slice %arg6[%dma_wait3A_309, %dma_wait3A_310] : memref<3x512xf32, #tpu.memory_space<vmem>> -> memref<1x512xf32, #tpu.memory_space<vmem>>
    %dma_wait3A_312 = tpu.memref_squeeze %dma_wait3A_311 : memref<1x512xf32, #tpu.memory_space<vmem>> -> memref<512xf32, #tpu.memory_space<vmem>>
    %dma_wait3A_313 = arith.constant 384 : i32
    %dma_wait3A_314 = tpu.memref_slice %dma_wait3A_312[%dma_wait3A_313] : memref<512xf32, #tpu.memory_space<vmem>> -> memref<128xf32, #tpu.memory_space<vmem>>
    %dma_wait3A_315 = arith.constant 0 : i32
    %dma_wait3A_316 = tpu.memref_slice %arg5[%dma_wait3A_308, %dma_wait3A_315] : memref<4x128xi32, #tpu.memory_space<vmem>> -> memref<1x128xi32, #tpu.memory_space<vmem>>
    %dma_wait3A_317 = tpu.memref_squeeze %dma_wait3A_316 : memref<1x128xi32, #tpu.memory_space<vmem>> -> memref<128xi32, #tpu.memory_space<vmem>>
    %dma_wait3A_318 = arith.constant 0 : i32
    %dma_wait3A_319 = tpu.memref_slice %arg2[%dma_wait3A_307, %dma_wait3A_318] : memref<3x1000000xf32, #tpu.memory_space<hbm>> -> memref<1x1000000xf32, #tpu.memory_space<hbm>>
    %dma_wait3A_320 = tpu.memref_squeeze %dma_wait3A_319 : memref<1x1000000xf32, #tpu.memory_space<hbm>> -> memref<1000000xf32, #tpu.memory_space<hbm>>
    %dma_wait3A_321 = arith.constant 0 : i32
    %dma_wait3A_322 = tpu.memref_slice %dma_wait3A_320[%dma_wait3A_321] : memref<1000000xf32, #tpu.memory_space<hbm>> -> memref<1000000xf32, #tpu.memory_space<hbm>>
    tpu.wait_indirect_dma semaphore(%arg7 : memref<!tpu.dma_semaphore, #tpu.memory_space<semaphore_mem>>) src(%dma_wait3A_322 : memref<1000000xf32, #tpu.memory_space<hbm>>) dst(%dma_wait3A_314 : memref<128xf32, #tpu.memory_space<vmem>>)
    %dma_wait3A_323 = arith.constant 2 : i32
    %dma_wait3A_324 = arith.constant 0 : i32
    %dma_wait3A_325 = arith.constant 2 : i32
    %dma_wait3A_326 = arith.constant 0 : i32
    %dma_wait3A_327 = tpu.memref_slice %arg6[%dma_wait3A_325, %dma_wait3A_326] : memref<3x512xf32, #tpu.memory_space<vmem>> -> memref<1x512xf32, #tpu.memory_space<vmem>>
    %dma_wait3A_328 = tpu.memref_squeeze %dma_wait3A_327 : memref<1x512xf32, #tpu.memory_space<vmem>> -> memref<512xf32, #tpu.memory_space<vmem>>
    %dma_wait3A_329 = arith.constant 0 : i32
    %dma_wait3A_330 = tpu.memref_slice %dma_wait3A_328[%dma_wait3A_329] : memref<512xf32, #tpu.memory_space<vmem>> -> memref<128xf32, #tpu.memory_space<vmem>>
    %dma_wait3A_331 = arith.constant 0 : i32
    %dma_wait3A_332 = tpu.memref_slice %arg5[%dma_wait3A_324, %dma_wait3A_331] : memref<4x128xi32, #tpu.memory_space<vmem>> -> memref<1x128xi32, #tpu.memory_space<vmem>>
    %dma_wait3A_333 = tpu.memref_squeeze %dma_wait3A_332 : memref<1x128xi32, #tpu.memory_space<vmem>> -> memref<128xi32, #tpu.memory_space<vmem>>
    %dma_wait3A_334 = arith.constant 0 : i32
    %dma_wait3A_335 = tpu.memref_slice %arg2[%dma_wait3A_323, %dma_wait3A_334] : memref<3x1000000xf32, #tpu.memory_space<hbm>> -> memref<1x1000000xf32, #tpu.memory_space<hbm>>
    %dma_wait3A_336 = tpu.memref_squeeze %dma_wait3A_335 : memref<1x1000000xf32, #tpu.memory_space<hbm>> -> memref<1000000xf32, #tpu.memory_space<hbm>>
    %dma_wait3A_337 = arith.constant 0 : i32
    %dma_wait3A_338 = tpu.memref_slice %dma_wait3A_336[%dma_wait3A_337] : memref<1000000xf32, #tpu.memory_space<hbm>> -> memref<1000000xf32, #tpu.memory_space<hbm>>
    tpu.wait_indirect_dma semaphore(%arg7 : memref<!tpu.dma_semaphore, #tpu.memory_space<semaphore_mem>>) src(%dma_wait3A_338 : memref<1000000xf32, #tpu.memory_space<hbm>>) dst(%dma_wait3A_330 : memref<128xf32, #tpu.memory_space<vmem>>)
    %dma_wait3A_339 = arith.constant 2 : i32
    %dma_wait3A_340 = arith.constant 1 : i32
    %dma_wait3A_341 = arith.constant 2 : i32
    %dma_wait3A_342 = arith.constant 0 : i32
    %dma_wait3A_343 = tpu.memref_slice %arg6[%dma_wait3A_341, %dma_wait3A_342] : memref<3x512xf32, #tpu.memory_space<vmem>> -> memref<1x512xf32, #tpu.memory_space<vmem>>
    %dma_wait3A_344 = tpu.memref_squeeze %dma_wait3A_343 : memref<1x512xf32, #tpu.memory_space<vmem>> -> memref<512xf32, #tpu.memory_space<vmem>>
    %dma_wait3A_345 = arith.constant 128 : i32
    %dma_wait3A_346 = tpu.memref_slice %dma_wait3A_344[%dma_wait3A_345] : memref<512xf32, #tpu.memory_space<vmem>> -> memref<128xf32, #tpu.memory_space<vmem>>
    %dma_wait3A_347 = arith.constant 0 : i32
    %dma_wait3A_348 = tpu.memref_slice %arg5[%dma_wait3A_340, %dma_wait3A_347] : memref<4x128xi32, #tpu.memory_space<vmem>> -> memref<1x128xi32, #tpu.memory_space<vmem>>
    %dma_wait3A_349 = tpu.memref_squeeze %dma_wait3A_348 : memref<1x128xi32, #tpu.memory_space<vmem>> -> memref<128xi32, #tpu.memory_space<vmem>>
    %dma_wait3A_350 = arith.constant 0 : i32
    %dma_wait3A_351 = tpu.memref_slice %arg2[%dma_wait3A_339, %dma_wait3A_350] : memref<3x1000000xf32, #tpu.memory_space<hbm>> -> memref<1x1000000xf32, #tpu.memory_space<hbm>>
    %dma_wait3A_352 = tpu.memref_squeeze %dma_wait3A_351 : memref<1x1000000xf32, #tpu.memory_space<hbm>> -> memref<1000000xf32, #tpu.memory_space<hbm>>
    %dma_wait3A_353 = arith.constant 0 : i32
    %dma_wait3A_354 = tpu.memref_slice %dma_wait3A_352[%dma_wait3A_353] : memref<1000000xf32, #tpu.memory_space<hbm>> -> memref<1000000xf32, #tpu.memory_space<hbm>>
    tpu.wait_indirect_dma semaphore(%arg7 : memref<!tpu.dma_semaphore, #tpu.memory_space<semaphore_mem>>) src(%dma_wait3A_354 : memref<1000000xf32, #tpu.memory_space<hbm>>) dst(%dma_wait3A_346 : memref<128xf32, #tpu.memory_space<vmem>>)
    %dma_wait3A_355 = arith.constant 2 : i32
    %dma_wait3A_356 = arith.constant 2 : i32
    %dma_wait3A_357 = arith.constant 2 : i32
    %dma_wait3A_358 = arith.constant 0 : i32
    %dma_wait3A_359 = tpu.memref_slice %arg6[%dma_wait3A_357, %dma_wait3A_358] : memref<3x512xf32, #tpu.memory_space<vmem>> -> memref<1x512xf32, #tpu.memory_space<vmem>>
    %dma_wait3A_360 = tpu.memref_squeeze %dma_wait3A_359 : memref<1x512xf32, #tpu.memory_space<vmem>> -> memref<512xf32, #tpu.memory_space<vmem>>
    %dma_wait3A_361 = arith.constant 256 : i32
    %dma_wait3A_362 = tpu.memref_slice %dma_wait3A_360[%dma_wait3A_361] : memref<512xf32, #tpu.memory_space<vmem>> -> memref<128xf32, #tpu.memory_space<vmem>>
    %dma_wait3A_363 = arith.constant 0 : i32
    %dma_wait3A_364 = tpu.memref_slice %arg5[%dma_wait3A_356, %dma_wait3A_363] : memref<4x128xi32, #tpu.memory_space<vmem>> -> memref<1x128xi32, #tpu.memory_space<vmem>>
    %dma_wait3A_365 = tpu.memref_squeeze %dma_wait3A_364 : memref<1x128xi32, #tpu.memory_space<vmem>> -> memref<128xi32, #tpu.memory_space<vmem>>
    %dma_wait3A_366 = arith.constant 0 : i32
    %dma_wait3A_367 = tpu.memref_slice %arg2[%dma_wait3A_355, %dma_wait3A_366] : memref<3x1000000xf32, #tpu.memory_space<hbm>> -> memref<1x1000000xf32, #tpu.memory_space<hbm>>
    %dma_wait3A_368 = tpu.memref_squeeze %dma_wait3A_367 : memref<1x1000000xf32, #tpu.memory_space<hbm>> -> memref<1000000xf32, #tpu.memory_space<hbm>>
    %dma_wait3A_369 = arith.constant 0 : i32
    %dma_wait3A_370 = tpu.memref_slice %dma_wait3A_368[%dma_wait3A_369] : memref<1000000xf32, #tpu.memory_space<hbm>> -> memref<1000000xf32, #tpu.memory_space<hbm>>
    tpu.wait_indirect_dma semaphore(%arg7 : memref<!tpu.dma_semaphore, #tpu.memory_space<semaphore_mem>>) src(%dma_wait3A_370 : memref<1000000xf32, #tpu.memory_space<hbm>>) dst(%dma_wait3A_362 : memref<128xf32, #tpu.memory_space<vmem>>)
    %dma_wait3A_371 = arith.constant 2 : i32
    %dma_wait3A_372 = arith.constant 3 : i32
    %dma_wait3A_373 = arith.constant 2 : i32
    %dma_wait3A_374 = arith.constant 0 : i32
    %dma_wait3A_375 = tpu.memref_slice %arg6[%dma_wait3A_373, %dma_wait3A_374] : memref<3x512xf32, #tpu.memory_space<vmem>> -> memref<1x512xf32, #tpu.memory_space<vmem>>
    %dma_wait3A_376 = tpu.memref_squeeze %dma_wait3A_375 : memref<1x512xf32, #tpu.memory_space<vmem>> -> memref<512xf32, #tpu.memory_space<vmem>>
    %dma_wait3A_377 = arith.constant 384 : i32
    %dma_wait3A_378 = tpu.memref_slice %dma_wait3A_376[%dma_wait3A_377] : memref<512xf32, #tpu.memory_space<vmem>> -> memref<128xf32, #tpu.memory_space<vmem>>
    %dma_wait3A_379 = arith.constant 0 : i32
    %dma_wait3A_380 = tpu.memref_slice %arg5[%dma_wait3A_372, %dma_wait3A_379] : memref<4x128xi32, #tpu.memory_space<vmem>> -> memref<1x128xi32, #tpu.memory_space<vmem>>
    %dma_wait3A_381 = tpu.memref_squeeze %dma_wait3A_380 : memref<1x128xi32, #tpu.memory_space<vmem>> -> memref<128xi32, #tpu.memory_space<vmem>>
    %dma_wait3A_382 = arith.constant 0 : i32
    %dma_wait3A_383 = tpu.memref_slice %arg2[%dma_wait3A_371, %dma_wait3A_382] : memref<3x1000000xf32, #tpu.memory_space<hbm>> -> memref<1x1000000xf32, #tpu.memory_space<hbm>>
    %dma_wait3A_384 = tpu.memref_squeeze %dma_wait3A_383 : memref<1x1000000xf32, #tpu.memory_space<hbm>> -> memref<1000000xf32, #tpu.memory_space<hbm>>
    %dma_wait3A_385 = arith.constant 0 : i32
    %dma_wait3A_386 = tpu.memref_slice %dma_wait3A_384[%dma_wait3A_385] : memref<1000000xf32, #tpu.memory_space<hbm>> -> memref<1000000xf32, #tpu.memory_space<hbm>>
    tpu.wait_indirect_dma semaphore(%arg7 : memref<!tpu.dma_semaphore, #tpu.memory_space<semaphore_mem>>) src(%dma_wait3A_386 : memref<1000000xf32, #tpu.memory_space<hbm>>) dst(%dma_wait3A_378 : memref<128xf32, #tpu.memory_space<vmem>>)
    "tpu.region"() ({
      %run_scoped3A = tpu.sem_alloc : memref<!tpu.dma_semaphore, #tpu.memory_space<semaphore_mem>>
      %dma_start3A_387 = arith.constant 0 : i32
      %dma_start3A_388 = tpu.memref_slice %arg4[%dma_start3A_387, %mul3A_2] : memref<3x16384xf32, #tpu.memory_space<hbm>> -> memref<3x512xf32, #tpu.memory_space<hbm>>
      %dma_start3A_389 = arith.constant 0 : i32
      %dma_start3A_390 = tpu.memref_slice %arg4[%dma_start3A_389, %mul3A_2] : memref<3x16384xf32, #tpu.memory_space<hbm>> -> memref<3x512xf32, #tpu.memory_space<hbm>>
      tpu.enqueue_dma source(%arg6 : memref<3x512xf32, #tpu.memory_space<vmem>>) target(%dma_start3A_390 : memref<3x512xf32, #tpu.memory_space<hbm>>) target_semaphore(%run_scoped3A : memref<!tpu.dma_semaphore, #tpu.memory_space<semaphore_mem>>)
      %dma_wait3A_391 = arith.constant 0 : i32
      %dma_wait3A_392 = tpu.memref_slice %arg4[%dma_wait3A_391, %mul3A_2] : memref<3x16384xf32, #tpu.memory_space<hbm>> -> memref<3x512xf32, #tpu.memory_space<hbm>>
      %dma_wait3A_393 = arith.constant 0 : i32
      %dma_wait3A_394 = tpu.memref_slice %arg4[%dma_wait3A_393, %mul3A_2] : memref<3x16384xf32, #tpu.memory_space<hbm>> -> memref<3x512xf32, #tpu.memory_space<hbm>>
      tpu.wait_dma2 semaphore(%run_scoped3A : memref<!tpu.dma_semaphore, #tpu.memory_space<semaphore_mem>>) src(%arg6 : memref<3x512xf32, #tpu.memory_space<vmem>>) dst(%dma_wait3A_394 : memref<3x512xf32, #tpu.memory_space<hbm>>)
      tpu.yield
    }) : () -> ()
    return
  }
}

</mosaic_0001>

<sc_bundles>
// kernel: kernel.4.cloned.1.call-start
scs
__scs_entry_jumppad:
0x0: {  	(pc) =	sbr.rel $0x88, $3  }
0x1: {  	(tag) =	ssettag $0x0;
	lr =	simm.s32 $0x1  }
0x2: {  	[smem:$0x3F9D] =	sst lr;
	_ =	strace $0xD0000000  }
0x3: {  	_ = 	snop  }
0x4: {  	_ = 	snop  }
0x5: {  	_ = 	snop  }
0x6: {  	_ = 	snop  }
0x7: {  	_ = 	snop  }
__scs_overlays_trampoline_lowered:
0x8: {  	[smem:$0x3FAC] =	sst s0  }
0x9: {  	[smem:$0x3FAD] =	sst s1  }
0xa: {  	[smem:$0x3FAE] =	sst s2  }
0xb: {  	[smem:$0x3FAF] =	sst s3  }
0xc: {  	[smem:$0x3FB0] =	sst s4  }
0xd: {  	[smem:$0x3FB1] =	sst s5  }
0xe: {  	[smem:$0x3FB2] =	sst s6  }
0xf: {  	[smem:$0x3FB3] =	sst s7  }
0x10: {  	[smem:$0x3FB4] =	sst s8  }
0x11: {  	[smem:$0x3FB5] =	sst s9;
	s0 =	simm.s32 @!p0 $0x0  }
0x12: {  	s1 =	sld [smem:$0x3F9B];
	s0 =	simm.s32 @p0 $0x1  }
0x13: {  	[smem:$0x3FB6] =	sst s0;
	s0 =	simm.s32 @!p1 $0x0  }
0x14: {  	s2 =	sld [smem:$0x3F9A];
	s0 =	simm.s32 @p1 $0x1  }
0x15: {  	[smem:$0x3FB7] =	sst s0;
	s0 =	simm.s32 @!p2 $0x0  }
0x16: {  	s3 =	sld [smem:$0x3FDB];
	s0 =	simm.s32 @p2 $0x1  }
0x17: {  	s4 =	simm.s32 $0x1BF5;
	[smem:$0x3FB9] =	sst s0  }
0x18: {  	s0 =	sld [smem:$0x3F9C];
	_ =	swait.ge [sflag:s4], $0x0  }
0x19: {  	s7 =	sld [smem:$0x3F9D]  }
0x1a: {  	s8 =	sadd.s32 $0xFFFFE003, lr  }
0x1b: {  	s9 =	sadd.s32 $0xFFFFFEF7, lr;
	s5 =	simm.s32 $0xFFFFFFFF;
	p2 =	slt.u32 s8, $0xFFFFF086  }
0x1c: {  	p1 =	slt.u32 s9, $0xF7A;
	s5 =	simm.s32 @!p2 $0x0  }
0x1d: {  	s5 =	simm.s32 @p1 $0x1;
	p0 =	seq.s32 s7, s2  }
0x1e: {  	s7 =	smul.u32 @!p0 $0xF7A, s2;
	p2 =	seq.s32 @!p0 s5, $0x0  }
0x1f: {  	s9 =	smul.u32 $0xF7A, s1;
	s8 =	simm.s32 @!p0 $0x1BF5;
	p2 =	por !p2, p0  }
0x20: {  	[sflag:s8] =	ssyncset.s32 @!p0 $0xFFFFF086;
	s6 =	sadd.s32 @!p0 s3, s7;
	s7 =	simm.s32 @!p0 $0x108  }
0x21: {  	s3 =	sadd.s32 s3, s9;
	s6 =	sadd.s32 @!p0 $0x88, s6;
	s7 =	simm.s32 @p2 $0x1082  }
0x22: {  	[simem:s7], [sflag:s8] =	dma.local @!p0 [hbm:s6], $0xF7A  }
0x23: {  	s9 =	sor.u32 $0xD0000000, s2;
	s6 =	simm.s32 $0x108;
	_ =	swait.ge @!p0 [sflag:s8], $0x0  }
0x24: {  	s3 =	sadd.s32 $0x88, s3;
	s6 =	simm.s32 @!p1 $0x1082;
	[sflag:s4] =	ssyncset.s32 $0xFFFFF086  }
0x25: {  	[simem:s6], [sflag:s4] =	dma.local [hbm:s3], $0xF7A  }
0x26: {  	[smem:$0x3F9D] =	sst s1;
	(tag) =	ssettag s2;
	_ =	strace s9  }
0x27: {  	s1 =	sld [smem:$0x3FAD]  }
0x28: {  	s2 =	sld [smem:$0x3FAE]  }
0x29: {  	s4 =	sld [smem:$0x3FB0]  }
0x2a: {  	p0 =	seq.s32 s5, $0x0;
	s5 =	sld [smem:$0x3FB1]  }
0x2b: {  	s6 =	sld [smem:$0x3FB2]  }
0x2c: {  	s7 =	sld [smem:$0x3FB3]  }
0x2d: {  	s3 =	simm.s32 $0x108;
	s8 =	sld [smem:$0x3FB4]  }
0x2e: {  	s3 =	simm.s32 @!p0 $0x1082;
	s9 =	sld [smem:$0x3FB5]  }
0x2f: {  	lr =	sadd.s32 s0, s3;
	s0 =	sld [smem:$0x3FAC]  }
0x30: {  	s3 =	sld [smem:$0x3FAF]  }
0x31: {  	[smem:$0x3FB8] =	sst s10  }
0x32: {  	s10 =	sld [smem:$0x3FB6];
	_ =	sdelay $0x3  }
0x33: {  	p0 =	seq.s32 s10, $0x1;
	s10 =	sld [smem:$0x3FB8];
	_ =	sdelay $0x3  }
0x34: {  	[smem:$0x3FB8] =	sst s10  }
0x35: {  	s10 =	sld [smem:$0x3FB7];
	_ =	sdelay $0x3  }
0x36: {  	p1 =	seq.s32 s10, $0x1;
	s10 =	sld [smem:$0x3FB8];
	_ =	sdelay $0x3  }
0x37: {  	[smem:$0x3FB8] =	sst s10  }
0x38: {  	s10 =	sld [smem:$0x3FB9]  }
0x39: {  	_ = 	snop;
	(pc) =	sbr.ind lr, $3  }
0x3a: {  	_ = 	snop  }
0x3b: {  	_ = 	snop  }
0x3c: {  	p2 =	seq.s32 s10, $0x1;
	s10 =	sld [smem:$0x3FB8]  }
0x3d: {  	_ =	shalt  }
0x3e: {  	_ =	shalt  }
0x3f: {  	_ =	shalt  }
0x40: {  	_ =	shalt  }
0x41: {  	_ =	shalt  }
0x42: {  	_ =	shalt  }
0x43: {  	_ =	shalt  }
0x44: {  	_ =	shalt  }
0x45: {  	_ =	shalt  }
0x46: {  	_ =	shalt  }
0x47: {  	_ =	shalt  }
0x48: {  	_ =	shalt  }
0x49: {  	_ =	shalt  }
0x4a: {  	_ =	shalt  }
0x4b: {  	_ =	shalt  }
0x4c: {  	_ =	shalt  }
0x4d: {  	_ =	shalt  }
0x4e: {  	_ =	shalt  }
0x4f: {  	_ =	shalt  }
0x50: {  	_ =	shalt  }
0x51: {  	_ =	shalt  }
0x52: {  	_ =	shalt  }
0x53: {  	_ =	shalt  }
0x54: {  	_ =	shalt  }
0x55: {  	_ =	shalt  }
0x56: {  	_ =	shalt  }
0x57: {  	_ =	shalt  }
0x58: {  	_ =	shalt  }
0x59: {  	_ =	shalt  }
0x5a: {  	_ =	shalt  }
0x5b: {  	_ =	shalt  }
0x5c: {  	_ =	shalt  }
0x5d: {  	_ =	shalt  }
0x5e: {  	_ =	shalt  }
0x5f: {  	_ =	shalt  }
0x60: {  	_ =	shalt  }
0x61: {  	_ =	shalt  }
0x62: {  	_ =	shalt  }
0x63: {  	_ =	shalt  }
0x64: {  	_ =	shalt  }
0x65: {  	_ =	shalt  }
0x66: {  	_ =	shalt  }
0x67: {  	_ =	shalt  }
0x68: {  	_ =	shalt  }
0x69: {  	_ =	shalt  }
0x6a: {  	_ =	shalt  }
0x6b: {  	_ =	shalt  }
0x6c: {  	_ =	shalt  }
0x6d: {  	_ =	shalt  }
0x6e: {  	_ =	shalt  }
0x6f: {  	_ =	shalt  }
0x70: {  	_ =	shalt  }
0x71: {  	_ =	shalt  }
0x72: {  	_ =	shalt  }
0x73: {  	_ =	shalt  }
0x74: {  	_ =	shalt  }
0x75: {  	_ =	shalt  }
0x76: {  	_ =	shalt  }
0x77: {  	_ =	shalt  }
0x78: {  	_ =	shalt  }
0x79: {  	_ =	shalt  }
0x7a: {  	_ =	shalt  }
0x7b: {  	_ =	shalt  }
0x7c: {  	_ =	shalt  }
0x7d: {  	_ =	shalt  }
0x7e: {  	_ =	shalt  }
0x7f: {  	_ =	shalt  }
0x80: {  	_ =	shalt  }
0x81: {  	_ =	shalt  }
0x82: {  	_ =	shalt  }
0x83: {  	_ =	shalt  }
0x84: {  	_ =	shalt  }
0x85: {  	_ =	shalt  }
0x86: {  	_ =	shalt  }
0x87: {  	_ =	shalt  }
.Lfunc_end0:
.L_simem_size_0:
called_computation_lowered:
.L_overlay_start_0:
0x88: {  	s2 =	sld [smem:$0x3FD9]  }
0x89: {  	s3 =	sld [smem:$0x3FFE];
	_ =	sdelay $0x1  }
0x8a: {  	s1 =	srdreg.scid  }
0x8b: {  	s0 =	sand.u32 $0x1, s1  }
0x8c: {  	s14 =	sshll.u32 s0, $0xA;
	s2 =	sadd.s32 s3, s2  }
0x8d: {  	s2 =	sadd.s32 s2, s14  }
0x8e: {  	[smem:$0x3FC4] =	sst s2  }
0x8f: {  	_ = 	snop  }
0x90: {  	s2 =	sld [smem:$0x3FD0];
	_ =	sdelay $0x2  }
0x91: {  	s4 =	simm.s32 $0xB;
	s5 =	simm.s32 $0x10;
	s15 =	sld [smem:$0x3FC6]  }
0x92: {  	[smem:s5], [sflag:s4] =	dma.local [hbm:s2], $0x1  }
0x93: {  	_ =	swait.eq [sflag:s4], $0x1  }
0x94: {  	[sflag:s4] =	ssyncset.done $0x0  }
0x95: {  	s16 =	sld [smem:$0x11];
	[sflag:s4] =	ssyncadd.s32 $0xFFFFFFFF  }
0x96: {  	s17 =	sld [smem:$0x12];
	(tm) =	ssettm $0x1  }
0x97: {  	s18 =	sld [smem:$0x3FFB];
	_ =	sdelay $0x3  }
0x98: {  	_ =	strace s18  }
0x99: {  	s5 =	sld [smem:$0x3FFC];
	_ =	sdelay $0x3  }
0x9a: {  	_ =	strace s5  }
0x9b: {  	s5 =	sld [smem:$0x3FFD];
	_ =	sdelay $0x3  }
0x9c: {  	_ =	strace s5  }
0x9d: {  	_ =	strace $0x8FFFFFFF  }
0x9e: {  	s19 =	sld [smem:$0x3FDB];
	_ =	sdelay $0x1  }
0x9f: {  	s6 =	simm.s32 $_scs_section_size  }
0xa0: {  	s7 =	simm.s32 $_size__tile_overlayer_lowered;
	s8 =	simm.s32 $_tile_overlayer_lowered  }
0xa1: {  	s22 =	simm.s32 $0x1BFF;
	s21 =	sshll.u32 s8, $0x1;
	s5 =	sadd.s32 s6, s19  }
0xa2: {  	s9 =	simm.s32 $0x0;
	s20 =	sshll.u32 s7, $0x1;
	s7 =	sadd.s32 s21, s5  }
0xa3: {  	[timem:s9], [sflag:s22] =	dma.local [hbm:s7], s20  }
0xa4: {  	_ =	swait.ge [sflag:s22], s20  }
0xa5: {  	s6 =	ssub.s32 $0x0, s20;
	[sflag:s22] =	ssyncset.done $0x0  }
0xa6: {  	[sflag:s22] =	ssyncadd.s32 s6;
	_ =	sdelay $0x1  }
0xa7: {  	s23 =	simm.s32 $0x1B8B  }
0xa8: {  	_ =	swait.ge [sflag:s23], $0x1  }
0xa9: {  	[sflag:s23] =	ssyncset.done $0x0  }
0xaa: {  	s25 =	simm.s32 $0x1B8E;
	s24 =	sld [smem:$0x3FFE];
	[sflag:s23] =	ssyncadd.s32 $0xFFFFFFFF  }
0xab: {  	s26 =	simm.s32 $execute0_lowered;
	[smem:$0x3FD2] =	sst s25  }
0xac: {  	s7 =	sshll.u32 s26, $0x1;
	_ =	strace $0x80000046;
	[dreg:$0x1] =	wrdreg $0xFFFFFFFF  }
0xad: {  	s28 =	simm.s32 $_size_execute0_lowered;
	s5 =	sadd.s32 s5, s7;
	[dreg:$0x0] =	wrdreg $0x0  }
0xae: {  	s7 =	sshll.u32 s28, $0x1;
	[dreg:$0x2] =	wrdreg s5  }
0xaf: {  	[dreg:$0x3] =	wrdreg s7  }
0xb0: {  	[dreg:$0x4] =	wrdreg $0xC0  }
0xb1: {  	_ =	task [dreg:s9], $0x5FFFF  }
0xb2: {  	[dreg:$0x1] =	wrdreg $0xFFFFFFFF  }
0xb3: {  	[dreg:$0x0] =	wrdreg $0x60  }
0xb4: {  	[dreg:$0x2] =	wrdreg s24  }
0xb5: {  	[dreg:$0x3] =	wrdreg s17  }
0xb6: {  	[dreg:$0x4] =	wrdreg s15  }
0xb7: {  	[dreg:$0x5] =	wrdreg s16  }
0xb8: {  	[dreg:$0x6] =	wrdreg $0x9  }
0xb9: {  	_ =	task.clear_ibuf [dreg:s9], $0x7FFFF;
	_ =	strace $0x90000046  }
0xba: {  	s29 =	simm.s32 $0x9;
	_ =	strace $0x80000048  }
0xbb: {  	_ =	swait.ge [sflag:s29], $0x1  }
0xbc: {  	[sflag:s29] =	ssyncadd.s32 $0xFFFFFFFF  }
0xbd: {  	_ =	strace $0x90000048  }
0xbe: {  	_ =	sfence  }
0xbf: {  	s30 =	sld [smem:$0x0];
	_ =	sdelay $0x2  }
0xc0: {  	s31 =	sshll.u32 s1, $0xD;
	s1 =	sshrl.u32 s1, $0x2  }
0xc1: {  	s3 =	sand.u32 $0x4000, s31;
	s1 =	sadd.s32 s1, s30  }
0xc2: {  	s0 =	sor.u32 s3, s0;
	s1 =	sshll.u32 s1, $0x11  }
0xc3: {  	s0 =	sor.u32 s1, s0  }
0xc4: {  	s0 =	sadd.s32 $0x8F2B, s0  }
0xc5: {  	[sflag:s0] =	ssyncadd.remote.s32 $0x1  }
0xc6: {  	_ =	sfence.sel $0xFFFF  }
0xc7: {  	[dreg:$0x0] =	wrdreg $0xFFFFFFFF;
	(pc) =	sbr.abs _section_cstart, $3  }
0xc8: {  	[dreg:$0x1] =	wrdreg $0xFFFFFFFF  }
0xc9: {  	_ =	task.clear_ibuf [dreg:s9], $0x2FFFF;
	_ =	strace $0x9FFFFFFF  }
0xca: {  	(tm) =	ssettm $0x7FFFFFFF  }
0xcb: {  	_ =	shalt  }
tec
execute0_lowered:
.L_overlay_start_1:
0x0: {  	(tag) =	ssettag $0x1  }
0x1: {  	s30 =	rddreg [dreg:$0x0]  }
0x2: {  	s0 =	rddreg [dreg:$0x1];
	s1 =	srdreg.scid  }
0x3: {  	[dreg:$0x5] =	wrdreg s0;
	s0 =	stileid.u32  }
0x4: {  	s3 =	rddreg [dreg:$0x2];
	s31 =	sand.u32 $0x1, s1;
	s4 =	sshll.u32 s0, $0x1  }
0x5: {  	s24 =	rddreg [dreg:$0x3];
	s2 =	simm.s32 $0x0;
	s26 =	sor.u32 s31, s4  }
0x6: {  	[smem:$0x7FF] =	sst s2;
	s25 =	sshll.u32 s26, $0x6  }
0x7: {  	_ =	strace $0x80000047;
	s4 =	simm.s32 $0x2;
	s3 =	sadd.s32 s3, s25  }
0x8: {  	[tilespmem:s2], [sflag:$0x2] =	stream.linear.gather [hbm4b:s3+s2], $0x200, $0x38;
	[tilespmem:$0x810] =	vst v63  }
0x9: {  	_ =	swait.ge [sflag:s4], $0x200  }
0xa: {  	s6 =	simm.s32 $0x80;
	[sflag:s4] =	ssyncset.done $0x0  }
0xb: {  	s7 =	simm.s32 $0x200;
	s5 =	sadd.s32 $0x2000, s30;
	[sflag:s4] =	ssyncadd.s32 $0xFFFFFE00  }
0xc: {  	[tilespmem:s7], [sflag:$0x1] =	stream.indirect.gather [hbm4b:s5+s6], $0x1, s2, s6, $0xb8;
	[tilespmem:$0x810] =	vst v63  }
0xd: {  	s8 =	simm.s32 $0x280  }
0xe: {  	[tilespmem:s8], [sflag:$0x1] =	stream.indirect.gather [hbm4b:s5+s6], $0x1, s6, s6, $0xb8;
	[tilespmem:$0x810] =	vst v63  }
0xf: {  	s9 =	simm.s32 $0x100;
	s10 =	simm.s32 $0x300  }
0x10: {  	[tilespmem:s10], [sflag:$0x1] =	stream.indirect.gather [hbm4b:s5+s6], $0x1, s9, s6, $0xb8;
	[tilespmem:$0x810] =	vst v63  }
0x11: {  	s11 =	simm.s32 $0x180;
	s12 =	simm.s32 $0x380  }
0x12: {  	[tilespmem:s12], [sflag:$0x1] =	stream.indirect.gather [hbm4b:s5+s6], $0x1, s11, s6, $0xb8;
	[tilespmem:$0x810] =	vst v63  }
0x13: {  	s14 =	simm.s32 $0x400;
	s13 =	sadd.s32 $0x20848, s30  }
0x14: {  	[tilespmem:s14], [sflag:$0x1] =	stream.indirect.gather [hbm4b:s13+s6], $0x1, s2, s6, $0xb8;
	[tilespmem:$0x810] =	vst v63  }
0x15: {  	s15 =	simm.s32 $0x480  }
0x16: {  	[tilespmem:s15], [sflag:$0x1] =	stream.indirect.gather [hbm4b:s13+s6], $0x1, s6, s6, $0xb8;
	[tilespmem:$0x810] =	vst v63  }
0x17: {  	s16 =	simm.s32 $0x500  }
0x18: {  	[tilespmem:s16], [sflag:$0x1] =	stream.indirect.gather [hbm4b:s13+s6], $0x1, s9, s6, $0xb8;
	[tilespmem:$0x810] =	vst v63  }
0x19: {  	s17 =	simm.s32 $0x580  }
0x1a: {  	[tilespmem:s17], [sflag:$0x1] =	stream.indirect.gather [hbm4b:s13+s6], $0x1, s11, s6, $0xb8;
	[tilespmem:$0x810] =	vst v63  }
0x1b: {  	s19 =	simm.s32 $0x600;
	s18 =	sadd.s32 $0x3F090, s30  }
0x1c: {  	[tilespmem:s19], [sflag:$0x1] =	stream.indirect.gather [hbm4b:s18+s6], $0x1, s2, s6, $0xb8;
	[tilespmem:$0x810] =	vst v63  }
0x1d: {  	s20 =	simm.s32 $0x680  }
0x1e: {  	[tilespmem:s20], [sflag:$0x1] =	stream.indirect.gather [hbm4b:s18+s6], $0x1, s6, s6, $0xb8;
	[tilespmem:$0x810] =	vst v63  }
0x1f: {  	s21 =	simm.s32 $0x700  }
0x20: {  	[tilespmem:s21], [sflag:$0x1] =	stream.indirect.gather [hbm4b:s18+s6], $0x1, s9, s6, $0xb8;
	[tilespmem:$0x810] =	vst v63  }
0x21: {  	s22 =	simm.s32 $0x780;
	s23 =	simm.s32 $0x1  }
0x22: {  	[tilespmem:s22], [sflag:$0x1] =	stream.indirect.gather [hbm4b:s18+s6], $0x1, s11, s6, $0xb8;
	[tilespmem:$0x810] =	vst v63  }
0x23: {  	_ =	swait.ge [sflag:s23], $0x80  }
0x24: {  	[sflag:s23] =	ssyncset.done $0x0  }
0x25: {  	[sflag:s23] =	ssyncadd.s32 $0xFFFFFF80  }
0x26: {  	_ =	swait.ge [sflag:s23], $0x80  }
0x27: {  	[sflag:s23] =	ssyncset.done $0x0  }
0x28: {  	[sflag:s23] =	ssyncadd.s32 $0xFFFFFF80  }
0x29: {  	_ =	swait.ge [sflag:s23], $0x80  }
0x2a: {  	[sflag:s23] =	ssyncset.done $0x0  }
0x2b: {  	[sflag:s23] =	ssyncadd.s32 $0xFFFFFF80  }
0x2c: {  	_ =	swait.ge [sflag:s23], $0x80  }
0x2d: {  	[sflag:s23] =	ssyncset.done $0x0  }
0x2e: {  	[sflag:s23] =	ssyncadd.s32 $0xFFFFFF80  }
0x2f: {  	_ =	swait.ge [sflag:s23], $0x80  }
0x30: {  	[sflag:s23] =	ssyncset.done $0x0  }
0x31: {  	[sflag:s23] =	ssyncadd.s32 $0xFFFFFF80  }
0x32: {  	_ =	swait.ge [sflag:s23], $0x80  }
0x33: {  	[sflag:s23] =	ssyncset.done $0x0  }
0x34: {  	[sflag:s23] =	ssyncadd.s32 $0xFFFFFF80  }
0x35: {  	_ =	swait.ge [sflag:s23], $0x80  }
0x36: {  	[sflag:s23] =	ssyncset.done $0x0  }
0x37: {  	[sflag:s23] =	ssyncadd.s32 $0xFFFFFF80  }
0x38: {  	_ =	swait.ge [sflag:s23], $0x80  }
0x39: {  	[sflag:s23] =	ssyncset.done $0x0  }
0x3a: {  	[sflag:s23] =	ssyncadd.s32 $0xFFFFFF80  }
0x3b: {  	_ =	swait.ge [sflag:s23], $0x80  }
0x3c: {  	[sflag:s23] =	ssyncset.done $0x0  }
0x3d: {  	[sflag:s23] =	ssyncadd.s32 $0xFFFFFF80  }
0x3e: {  	_ =	swait.ge [sflag:s23], $0x80  }
0x3f: {  	[sflag:s23] =	ssyncset.done $0x0  }
0x40: {  	[sflag:s23] =	ssyncadd.s32 $0xFFFFFF80  }
0x41: {  	_ =	swait.ge [sflag:s23], $0x80  }
0x42: {  	[sflag:s23] =	ssyncset.done $0x0  }
0x43: {  	[sflag:s23] =	ssyncadd.s32 $0xFFFFFF80  }
0x44: {  	_ =	swait.ge [sflag:s23], $0x80  }
0x45: {  	[sflag:s23] =	ssyncset.done $0x0  }
0x46: {  	s24 =	sadd.s32 s24, s25;
	s25 =	simm.s32 $0x4000;
	[sflag:s23] =	ssyncadd.s32 $0xFFFFFF80  }
0x47: {  	[hbm4b:s24+s7] =	stream.strided.scatter [tilespmem:s7], [sflag:$0x2], $0x600, s25, s7, $0x38;
	[tilespmem:$0x810] =	vst v63  }
0x48: {  	p0 =	sne.s32 s26, $0x0;
	_ =	swait.ge [sflag:s4], $0x600  }
0x49: {  	s28 =	simm.s32 @!p0 $0x0;
	s29 =	simm.s32 @!p0 $0x800;
	[sflag:s4] =	ssyncset.done $0x0  }
0x4a: {  	s26 =	simm.s32 @!p0 $0x2;
	s1 =	rddreg [dreg:$0x5];
	[sflag:s4] =	ssyncadd.s32 $0xFFFFFA00  }
0x4b: {  	[tilespmem:s29], [sflag:$0x2] =	stream.linear.gather @!p0 [hbm4b:s1+s28], $0x10, $0x38;
	[tilespmem:$0x810] =	vst v63  }
0x4c: {  	_ =	swait.ge @!p0 [sflag:s26], $0x10  }
0x4d: {  	[sflag:s26] =	ssyncset.done @!p0 $0x0  }
0x4e: {  	[sflag:s26] =	ssyncadd.s32 @!p0 $0xFFFFFFF0  }
0x4f: {  	v0 =	vld @!p0 [tilespmem:$0x800];
	_ =	sdelay $0x1  }
0x50: {  	s1 =	ssub.s32 $0x2, s31  }
0x51: {  	s31 =	sshrl.u32 s1, $0x1  }
0x52: {  	s1 =	ssub.s32 s1, s31  }
0x53: {  	s1 =	smax.u32 s1, $0x1;
	v0 =	vmul.f32 @!p0 v0, v0  }
0x54: {  	s31 =	sadd.s32 $0xFFFFFFFF, s1  }
0x55: {  	p1 =	sne.s32 s31, $0x0;
	v0 =	vmul.f32 @!p0 $1.000000000e+03, v0  }
.Ltmp0:
0x56: {  	_ = 	snop;
	(pc) =	sbr.rel @!p1 .LBB2_2-.Ltmp0, $4  }
0x57: {  	s30 =	sadd.s32 $0x5DA00, s30;
	[tilespmem:$0x800] =	vst @!p0 v0  }
0x58: {  	[hbm4b:s30+s28] =	stream.linear.scatter @!p0 [tilespmem:s29], [sflag:$0x2], $0x10, $0x38;
	[tilespmem:$0x810] =	vst v63  }
0x59: {  	_ =	swait.ge @!p0 [sflag:s26], $0x10  }
0x5a: {  	[sflag:s26] =	ssyncset.done @!p0 $0x0  }
.LBB2_1:
0x5b: {  	[sflag:s26] =	ssyncadd.s32 @!p0 $0xFFFFFFF0  }
0x5c: {  	[tilespmem:s2], [sflag:$0x2] =	stream.linear.gather [hbm4b:s3+s2], $0x200, $0x38;
	[tilespmem:$0x810] =	vst v63  }
0x5d: {  	_ =	swait.ge [sflag:s4], $0x200  }
0x5e: {  	[sflag:s4] =	ssyncset.done $0x0  }
0x5f: {  	[sflag:s4] =	ssyncadd.s32 $0xFFFFFE00  }
0x60: {  	[tilespmem:s7], [sflag:$0x1] =	stream.indirect.gather [hbm4b:s5+s6], $0x1, s2, s6, $0xb8;
	[tilespmem:$0x810] =	vst v63  }
0x61: {  	_ = 	snop  }
0x62: {  	[tilespmem:s8], [sflag:$0x1] =	stream.indirect.gather [hbm4b:s5+s6], $0x1, s6, s6, $0xb8;
	[tilespmem:$0x810] =	vst v63  }
0x63: {  	_ = 	snop  }
0x64: {  	[tilespmem:s10], [sflag:$0x1] =	stream.indirect.gather [hbm4b:s5+s6], $0x1, s9, s6, $0xb8;
	[tilespmem:$0x810] =	vst v63  }
0x65: {  	_ = 	snop  }
0x66: {  	[tilespmem:s12], [sflag:$0x1] =	stream.indirect.gather [hbm4b:s5+s6], $0x1, s11, s6, $0xb8;
	[tilespmem:$0x810] =	vst v63  }
0x67: {  	_ = 	snop  }
0x68: {  	[tilespmem:s14], [sflag:$0x1] =	stream.indirect.gather [hbm4b:s13+s6], $0x1, s2, s6, $0xb8;
	[tilespmem:$0x810] =	vst v63  }
0x69: {  	_ = 	snop  }
0x6a: {  	[tilespmem:s15], [sflag:$0x1] =	stream.indirect.gather [hbm4b:s13+s6], $0x1, s6, s6, $0xb8;
	[tilespmem:$0x810] =	vst v63  }
0x6b: {  	_ = 	snop  }
0x6c: {  	[tilespmem:s16], [sflag:$0x1] =	stream.indirect.gather [hbm4b:s13+s6], $0x1, s9, s6, $0xb8;
	[tilespmem:$0x810] =	vst v63  }
0x6d: {  	_ = 	snop  }
0x6e: {  	[tilespmem:s17], [sflag:$0x1] =	stream.indirect.gather [hbm4b:s13+s6], $0x1, s11, s6, $0xb8;
	[tilespmem:$0x810] =	vst v63  }
0x6f: {  	_ = 	snop  }
0x70: {  	[tilespmem:s19], [sflag:$0x1] =	stream.indirect.gather [hbm4b:s18+s6], $0x1, s2, s6, $0xb8;
	[tilespmem:$0x810] =	vst v63  }
0x71: {  	_ = 	snop  }
0x72: {  	[tilespmem:s20], [sflag:$0x1] =	stream.indirect.gather [hbm4b:s18+s6], $0x1, s6, s6, $0xb8;
	[tilespmem:$0x810] =	vst v63  }
0x73: {  	_ = 	snop  }
0x74: {  	[tilespmem:s21], [sflag:$0x1] =	stream.indirect.gather [hbm4b:s18+s6], $0x1, s9, s6, $0xb8;
	[tilespmem:$0x810] =	vst v63  }
0x75: {  	_ = 	snop  }
0x76: {  	[tilespmem:s22], [sflag:$0x1] =	stream.indirect.gather [hbm4b:s18+s6], $0x1, s11, s6, $0xb8;
	[tilespmem:$0x810] =	vst v63  }
0x77: {  	_ =	swait.ge [sflag:s23], $0x80  }
0x78: {  	[sflag:s23] =	ssyncset.done $0x0  }
0x79: {  	[sflag:s23] =	ssyncadd.s32 $0xFFFFFF80  }
0x7a: {  	_ =	swait.ge [sflag:s23], $0x80  }
0x7b: {  	[sflag:s23] =	ssyncset.done $0x0  }
0x7c: {  	[sflag:s23] =	ssyncadd.s32 $0xFFFFFF80  }
0x7d: {  	_ =	swait.ge [sflag:s23], $0x80  }
0x7e: {  	[sflag:s23] =	ssyncset.done $0x0  }
0x7f: {  	[sflag:s23] =	ssyncadd.s32 $0xFFFFFF80  }
0x80: {  	_ =	swait.ge [sflag:s23], $0x80  }
0x81: {  	[sflag:s23] =	ssyncset.done $0x0  }
0x82: {  	[sflag:s23] =	ssyncadd.s32 $0xFFFFFF80  }
0x83: {  	_ =	swait.ge [sflag:s23], $0x80  }
0x84: {  	[sflag:s23] =	ssyncset.done $0x0  }
0x85: {  	[sflag:s23] =	ssyncadd.s32 $0xFFFFFF80  }
0x86: {  	_ =	swait.ge [sflag:s23], $0x80  }
0x87: {  	[sflag:s23] =	ssyncset.done $0x0  }
0x88: {  	[sflag:s23] =	ssyncadd.s32 $0xFFFFFF80  }
0x89: {  	_ =	swait.ge [sflag:s23], $0x80  }
0x8a: {  	[sflag:s23] =	ssyncset.done $0x0  }
0x8b: {  	[sflag:s23] =	ssyncadd.s32 $0xFFFFFF80  }
0x8c: {  	_ =	swait.ge [sflag:s23], $0x80  }
0x8d: {  	[sflag:s23] =	ssyncset.done $0x0  }
0x8e: {  	[sflag:s23] =	ssyncadd.s32 $0xFFFFFF80  }
0x8f: {  	_ =	swait.ge [sflag:s23], $0x80  }
0x90: {  	[sflag:s23] =	ssyncset.done $0x0  }
0x91: {  	[sflag:s23] =	ssyncadd.s32 $0xFFFFFF80  }
0x92: {  	_ =	swait.ge [sflag:s23], $0x80  }
0x93: {  	[sflag:s23] =	ssyncset.done $0x0  }
0x94: {  	[sflag:s23] =	ssyncadd.s32 $0xFFFFFF80  }
0x95: {  	_ =	swait.ge [sflag:s23], $0x80  }
0x96: {  	[sflag:s23] =	ssyncset.done $0x0  }
0x97: {  	[sflag:s23] =	ssyncadd.s32 $0xFFFFFF80  }
0x98: {  	_ =	swait.ge [sflag:s23], $0x80  }
0x99: {  	[sflag:s23] =	ssyncset.done $0x0  }
0x9a: {  	[sflag:s23] =	ssyncadd.s32 $0xFFFFFF80  }
0x9b: {  	[hbm4b:s24+s7] =	stream.strided.scatter [tilespmem:s7], [sflag:$0x2], $0x600, s25, s7, $0x38;
	[tilespmem:$0x810] =	vst v63  }
0x9c: {  	_ =	swait.ge [sflag:s4], $0x600  }
0x9d: {  	[sflag:s4] =	ssyncset.done $0x0  }
0x9e: {  	s1 =	rddreg [dreg:$0x5];
	[sflag:s4] =	ssyncadd.s32 $0xFFFFFA00  }
0x9f: {  	[tilespmem:s29], [sflag:$0x2] =	stream.linear.gather @!p0 [hbm4b:s1+s28], $0x10, $0x38;
	[tilespmem:$0x810] =	vst v63  }
0xa0: {  	_ =	swait.ge @!p0 [sflag:s26], $0x10  }
0xa1: {  	[sflag:s26] =	ssyncset.done @!p0 $0x0  }
0xa2: {  	[sflag:s26] =	ssyncadd.s32 @!p0 $0xFFFFFFF0  }
0xa3: {  	v0 =	vld @!p0 [tilespmem:$0x800];
	_ =	sdelay $0x4  }
0xa4: {  	v0 =	vmul.f32 @!p0 v0, v0  }
0xa5: {  	s31 =	sadd.s32 $0xFFFFFFFF, s31  }
0xa6: {  	p1 =	sne.s32 s31, $0x0;
	v0 =	vmul.f32 @!p0 $1.000000000e+03, v0  }
.Ltmp1:
0xa7: {  	_ = 	snop;
	(pc) =	sbr.rel @p1 .LBB2_1-.Ltmp1, $4  }
0xa8: {  	[tilespmem:$0x800] =	vst @!p0 v0  }
0xa9: {  	[hbm4b:s30+s28] =	stream.linear.scatter @!p0 [tilespmem:s29], [sflag:$0x2], $0x10, $0x38;
	[tilespmem:$0x810] =	vst v63  }
0xaa: {  	_ =	swait.ge @!p0 [sflag:s26], $0x10  }
0xab: {  	[sflag:s26] =	ssyncset.done @!p0 $0x0  }
.LBB2_2:
0xac: {  	[sflag:s26] =	ssyncadd.s32 @!p0 $0xFFFFFFF0  }
0xad: {  	_ =	sfence.sel $0x180000  }
0xae: {  	[bflag:$0x0] =	sbarrier.arrive $0xFFFF  }
0xaf: {  	_ =	strace $0x90000047  }
0xb0: {  	[bflag:$0x2] =	sbarrier.arrive $0xFFFF  }
0xb1: {  	p0 =	sne.s32 s0, $0x0;
	s0 =	rddreg [dreg:$0x4]  }
0xb2: {  	s0 =	sadd.s32 @!p0 $0x100000, s0  }
0xb3: {  	[sflag:s0] =	ssyncadd.tile.s32 @!p0 $0x1;
	_ =	shalt  }
.Lfunc_end2:
_tile_overlayer_lowered:
.L_overlay_start_2:
0xb4: {  	(tag) =	ssettag $0x2  }
0xb5: {  	s0 =	rddreg [dreg:$0x0];
	s2 =	stileid.u32  }
0xb6: {  	s1 =	rddreg [dreg:$0x1];
	p0 =	sne.s32 s2, $0x0  }
0xb7: {  	s3 =	rddreg [dreg:$0x2];
	[bflag:$0x3] =	sbarrier.arrive $0xFFFF;
	s2 =	simm.s32 @!p0 $0x1C02  }
0xb8: {  	[timem:s3], [sflag:s2] =	dma.local @!p0 [hbm:s0], s1  }
0xb9: {  	s0 =	simm.s32 @!p0 $0x2  }
0xba: {  	_ =	swait.ge @!p0 [sflag:s0], s1  }
0xbb: {  	s1 =	ssub.s32 @!p0 $0x0, s1;
	[sflag:s0] =	ssyncset.done @!p0 $0x0  }
0xbc: {  	[sflag:s0] =	ssyncadd.s32 @!p0 s1  }
0xbd: {  	[bflag:$0x3] =	sbarrier.arrive $0xFFFF  }
0xbe: {  	_ =	shalt  }

// kernel: kernel.7.cloned.1.call-start
scs
__scs_entry_jumppad:
0x0: {  	(pc) =	sbr.rel $0x88, $3  }
0x1: {  	(tag) =	ssettag $0x0;
	lr =	simm.s32 $0x1  }
0x2: {  	[smem:$0x3F9D] =	sst lr;
	_ =	strace $0xD0000000  }
0x3: {  	_ = 	snop  }
0x4: {  	_ = 	snop  }
0x5: {  	_ = 	snop  }
0x6: {  	_ = 	snop  }
0x7: {  	_ = 	snop  }
__scs_overlays_trampoline_lowered:
0x8: {  	[smem:$0x3FAC] =	sst s0  }
0x9: {  	[smem:$0x3FAD] =	sst s1  }
0xa: {  	[smem:$0x3FAE] =	sst s2  }
0xb: {  	[smem:$0x3FAF] =	sst s3  }
0xc: {  	[smem:$0x3FB0] =	sst s4  }
0xd: {  	[smem:$0x3FB1] =	sst s5  }
0xe: {  	[smem:$0x3FB2] =	sst s6  }
0xf: {  	[smem:$0x3FB3] =	sst s7  }
0x10: {  	[smem:$0x3FB4] =	sst s8  }
0x11: {  	[smem:$0x3FB5] =	sst s9;
	s0 =	simm.s32 @!p0 $0x0  }
0x12: {  	s1 =	sld [smem:$0x3F9B];
	s0 =	simm.s32 @p0 $0x1  }
0x13: {  	[smem:$0x3FB6] =	sst s0;
	s0 =	simm.s32 @!p1 $0x0  }
0x14: {  	s2 =	sld [smem:$0x3F9A];
	s0 =	simm.s32 @p1 $0x1  }
0x15: {  	[smem:$0x3FB7] =	sst s0;
	s0 =	simm.s32 @!p2 $0x0  }
0x16: {  	s3 =	sld [smem:$0x3FDB];
	s0 =	simm.s32 @p2 $0x1  }
0x17: {  	s4 =	simm.s32 $0x1BF5;
	[smem:$0x3FB9] =	sst s0  }
0x18: {  	s0 =	sld [smem:$0x3F9C];
	_ =	swait.ge [sflag:s4], $0x0  }
0x19: {  	s7 =	sld [smem:$0x3F9D]  }
0x1a: {  	s8 =	sadd.s32 $0xFFFFE003, lr  }
0x1b: {  	s9 =	sadd.s32 $0xFFFFFEF7, lr;
	s5 =	simm.s32 $0xFFFFFFFF;
	p2 =	slt.u32 s8, $0xFFFFF086  }
0x1c: {  	p1 =	slt.u32 s9, $0xF7A;
	s5 =	simm.s32 @!p2 $0x0  }
0x1d: {  	s5 =	simm.s32 @p1 $0x1;
	p0 =	seq.s32 s7, s2  }
0x1e: {  	s7 =	smul.u32 @!p0 $0xF7A, s2;
	p2 =	seq.s32 @!p0 s5, $0x0  }
0x1f: {  	s9 =	smul.u32 $0xF7A, s1;
	s8 =	simm.s32 @!p0 $0x1BF5;
	p2 =	por !p2, p0  }
0x20: {  	[sflag:s8] =	ssyncset.s32 @!p0 $0xFFFFF086;
	s6 =	sadd.s32 @!p0 s3, s7;
	s7 =	simm.s32 @!p0 $0x108  }
0x21: {  	s3 =	sadd.s32 s3, s9;
	s6 =	sadd.s32 @!p0 $0x88, s6;
	s7 =	simm.s32 @p2 $0x1082  }
0x22: {  	[simem:s7], [sflag:s8] =	dma.local @!p0 [hbm:s6], $0xF7A  }
0x23: {  	s9 =	sor.u32 $0xD0000000, s2;
	s6 =	simm.s32 $0x108;
	_ =	swait.ge @!p0 [sflag:s8], $0x0  }
0x24: {  	s3 =	sadd.s32 $0x88, s3;
	s6 =	simm.s32 @!p1 $0x1082;
	[sflag:s4] =	ssyncset.s32 $0xFFFFF086  }
0x25: {  	[simem:s6], [sflag:s4] =	dma.local [hbm:s3], $0xF7A  }
0x26: {  	[smem:$0x3F9D] =	sst s1;
	(tag) =	ssettag s2;
	_ =	strace s9  }
0x27: {  	s1 =	sld [smem:$0x3FAD]  }
0x28: {  	s2 =	sld [smem:$0x3FAE]  }
0x29: {  	s4 =	sld [smem:$0x3FB0]  }
0x2a: {  	p0 =	seq.s32 s5, $0x0;
	s5 =	sld [smem:$0x3FB1]  }
0x2b: {  	s6 =	sld [smem:$0x3FB2]  }
0x2c: {  	s7 =	sld [smem:$0x3FB3]  }
0x2d: {  	s3 =	simm.s32 $0x108;
	s8 =	sld [smem:$0x3FB4]  }
0x2e: {  	s3 =	simm.s32 @!p0 $0x1082;
	s9 =	sld [smem:$0x3FB5]  }
0x2f: {  	lr =	sadd.s32 s0, s3;
	s0 =	sld [smem:$0x3FAC]  }
0x30: {  	s3 =	sld [smem:$0x3FAF]  }
0x31: {  	[smem:$0x3FB8] =	sst s10  }
0x32: {  	s10 =	sld [smem:$0x3FB6];
	_ =	sdelay $0x3  }
0x33: {  	p0 =	seq.s32 s10, $0x1;
	s10 =	sld [smem:$0x3FB8];
	_ =	sdelay $0x3  }
0x34: {  	[smem:$0x3FB8] =	sst s10  }
0x35: {  	s10 =	sld [smem:$0x3FB7];
	_ =	sdelay $0x3  }
0x36: {  	p1 =	seq.s32 s10, $0x1;
	s10 =	sld [smem:$0x3FB8];
	_ =	sdelay $0x3  }
0x37: {  	[smem:$0x3FB8] =	sst s10  }
0x38: {  	s10 =	sld [smem:$0x3FB9]  }
0x39: {  	_ = 	snop;
	(pc) =	sbr.ind lr, $3  }
0x3a: {  	_ = 	snop  }
0x3b: {  	_ = 	snop  }
0x3c: {  	p2 =	seq.s32 s10, $0x1;
	s10 =	sld [smem:$0x3FB8]  }
0x3d: {  	_ =	shalt  }
0x3e: {  	_ =	shalt  }
0x3f: {  	_ =	shalt  }
0x40: {  	_ =	shalt  }
0x41: {  	_ =	shalt  }
0x42: {  	_ =	shalt  }
0x43: {  	_ =	shalt  }
0x44: {  	_ =	shalt  }
0x45: {  	_ =	shalt  }
0x46: {  	_ =	shalt  }
0x47: {  	_ =	shalt  }
0x48: {  	_ =	shalt  }
0x49: {  	_ =	shalt  }
0x4a: {  	_ =	shalt  }
0x4b: {  	_ =	shalt  }
0x4c: {  	_ =	shalt  }
0x4d: {  	_ =	shalt  }
0x4e: {  	_ =	shalt  }
0x4f: {  	_ =	shalt  }
0x50: {  	_ =	shalt  }
0x51: {  	_ =	shalt  }
0x52: {  	_ =	shalt  }
0x53: {  	_ =	shalt  }
0x54: {  	_ =	shalt  }
0x55: {  	_ =	shalt  }
0x56: {  	_ =	shalt  }
0x57: {  	_ =	shalt  }
0x58: {  	_ =	shalt  }
0x59: {  	_ =	shalt  }
0x5a: {  	_ =	shalt  }
0x5b: {  	_ =	shalt  }
0x5c: {  	_ =	shalt  }
0x5d: {  	_ =	shalt  }
0x5e: {  	_ =	shalt  }
0x5f: {  	_ =	shalt  }
0x60: {  	_ =	shalt  }
0x61: {  	_ =	shalt  }
0x62: {  	_ =	shalt  }
0x63: {  	_ =	shalt  }
0x64: {  	_ =	shalt  }
0x65: {  	_ =	shalt  }
0x66: {  	_ =	shalt  }
0x67: {  	_ =	shalt  }
0x68: {  	_ =	shalt  }
0x69: {  	_ =	shalt  }
0x6a: {  	_ =	shalt  }
0x6b: {  	_ =	shalt  }
0x6c: {  	_ =	shalt  }
0x6d: {  	_ =	shalt  }
0x6e: {  	_ =	shalt  }
0x6f: {  	_ =	shalt  }
0x70: {  	_ =	shalt  }
0x71: {  	_ =	shalt  }
0x72: {  	_ =	shalt  }
0x73: {  	_ =	shalt  }
0x74: {  	_ =	shalt  }
0x75: {  	_ =	shalt  }
0x76: {  	_ =	shalt  }
0x77: {  	_ =	shalt  }
0x78: {  	_ =	shalt  }
0x79: {  	_ =	shalt  }
0x7a: {  	_ =	shalt  }
0x7b: {  	_ =	shalt  }
0x7c: {  	_ =	shalt  }
0x7d: {  	_ =	shalt  }
0x7e: {  	_ =	shalt  }
0x7f: {  	_ =	shalt  }
0x80: {  	_ =	shalt  }
0x81: {  	_ =	shalt  }
0x82: {  	_ =	shalt  }
0x83: {  	_ =	shalt  }
0x84: {  	_ =	shalt  }
0x85: {  	_ =	shalt  }
0x86: {  	_ =	shalt  }
0x87: {  	_ =	shalt  }
.Lfunc_end0:
.L_simem_size_0:
called_computation.1_lowered:
.L_overlay_start_0:
0x88: {  	s2 =	sld [smem:$0x3FD9]  }
0x89: {  	s3 =	sld [smem:$0x3FFE];
	_ =	sdelay $0x1  }
0x8a: {  	s1 =	srdreg.scid  }
0x8b: {  	s0 =	sand.u32 $0x1, s1  }
0x8c: {  	s17 =	sshll.u32 s0, $0xA;
	s2 =	sadd.s32 s3, s2  }
0x8d: {  	s2 =	sadd.s32 s2, s17  }
0x8e: {  	[smem:$0x3FC4] =	sst s2  }
0x8f: {  	_ = 	snop  }
0x90: {  	s18 =	sld [smem:$0x3FC6];
	(tm) =	ssettm $0x1  }
0x91: {  	s19 =	sld [smem:$0x3FFB];
	_ =	sdelay $0x3  }
0x92: {  	_ =	strace s19  }
0x93: {  	s2 =	sld [smem:$0x3FFC];
	_ =	sdelay $0x3  }
0x94: {  	_ =	strace s2  }
0x95: {  	s2 =	sld [smem:$0x3FFD];
	_ =	sdelay $0x3  }
0x96: {  	_ =	strace s2  }
0x97: {  	_ =	strace $0x8FFFFFFF  }
0x98: {  	s20 =	sld [smem:$0x3FDB];
	_ =	sdelay $0x1  }
0x99: {  	s4 =	simm.s32 $_scs_section_size  }
0x9a: {  	s5 =	simm.s32 $_size__tile_overlayer_lowered;
	s6 =	simm.s32 $_tile_overlayer_lowered  }
0x9b: {  	s7 =	simm.s32 $0x1BFF;
	s21 =	sshll.u32 s6, $0x1;
	s4 =	sadd.s32 s4, s20  }
0x9c: {  	s22 =	simm.s32 $0x0;
	s5 =	sshll.u32 s5, $0x1;
	s6 =	sadd.s32 s21, s4  }
0x9d: {  	[timem:s22], [sflag:s7] =	dma.local [hbm:s6], s5  }
0x9e: {  	_ =	swait.ge [sflag:s7], s5  }
0x9f: {  	s5 =	ssub.s32 $0x0, s5;
	[sflag:s7] =	ssyncset.done $0x0  }
0xa0: {  	[sflag:s7] =	ssyncadd.s32 s5;
	_ =	sdelay $0x1  }
0xa1: {  	s23 =	simm.s32 $0x1B8B  }
0xa2: {  	_ =	swait.ge [sflag:s23], $0x1  }
0xa3: {  	[sflag:s23] =	ssyncset.done $0x0  }
0xa4: {  	[sflag:s23] =	ssyncadd.s32 $0xFFFFFFFF  }
0xa5: {  	s5 =	sld [smem:$0x0]  }
0xa6: {  	s6 =	sand.u32 $0xFFFFFFFE, s1  }
0xa7: {  	p0 =	sne.s32 s1, s6  }
0xa8: {  	s6 =	sshll.u32 @p0 s6, $0xE  }
0xa9: {  	s6 =	sadd.s32 @p0 $0x11B8D, s6;
	s7 =	sshll.u32 @p0 s5, $0x11  }
0xaa: {  	s6 =	sor.u32 @p0 s7, s6  }
0xab: {  	[sflag:s6] =	ssyncadd.remote.s32 @p0 $0x1;
	_ =	sdelay $0x1  }
0xac: {  	s6 =	simm.s32 @p0 $0x1B8D  }
0xad: {  	_ =	swait.eq @p0 [sflag:s6], $0x1  }
0xae: {  	[sflag:s6] =	ssyncadd.s32 @p0 $0xFFFFFFFF  }
0xaf: {  	s7 =	sshll.u32 @!p0 s1, $0xE  }
0xb0: {  	s7 =	sor.u32 @!p0 $0x4000, s7;
	s6 =	simm.s32 @!p0 $0x1B8D  }
0xb1: {  	s5 =	sshll.u32 @!p0 s5, $0x11;
	s7 =	sadd.s32 @!p0 $0x11B8D, s7;
	_ =	swait.eq @!p0 [sflag:s6], $0x1  }
0xb2: {  	s5 =	sor.u32 @!p0 s5, s7;
	[sflag:s6] =	ssyncadd.s32 @!p0 $0xFFFFFFFF  }
0xb3: {  	s25 =	simm.s32 $0x1B8E;
	s24 =	sld [smem:$0x3FFE];
	[sflag:s5] =	ssyncadd.remote.s32 @!p0 $0x1  }
0xb4: {  	s26 =	simm.s32 $execute0_lowered;
	[smem:$0x3FD2] =	sst s25  }
0xb5: {  	s6 =	sshll.u32 s26, $0x1;
	_ =	strace $0x80000049;
	[dreg:$0x1] =	wrdreg $0xFFFFFFFF  }
0xb6: {  	s28 =	simm.s32 $_size_execute0_lowered;
	s4 =	sadd.s32 s4, s6;
	[dreg:$0x0] =	wrdreg $0x0  }
0xb7: {  	s6 =	sshll.u32 s28, $0x1;
	[dreg:$0x2] =	wrdreg s4  }
0xb8: {  	[dreg:$0x3] =	wrdreg s6  }
0xb9: {  	[dreg:$0x4] =	wrdreg $0xC0  }
0xba: {  	_ =	task [dreg:s22], $0x5FFFF  }
0xbb: {  	[dreg:$0x1] =	wrdreg $0xFFFFFFFF  }
0xbc: {  	[dreg:$0x0] =	wrdreg $0x60  }
0xbd: {  	[dreg:$0x2] =	wrdreg s24  }
0xbe: {  	[dreg:$0x3] =	wrdreg s18  }
0xbf: {  	[dreg:$0x4] =	wrdreg $0xA  }
0xc0: {  	_ =	task.clear_ibuf [dreg:s22], $0x5FFFF;
	_ =	strace $0x90000049  }
0xc1: {  	s29 =	simm.s32 $0xA;
	_ =	strace $0x8000004B  }
0xc2: {  	_ =	swait.ge [sflag:s29], $0x1  }
0xc3: {  	[sflag:s29] =	ssyncadd.s32 $0xFFFFFFFF  }
0xc4: {  	_ =	strace $0x9000004B  }
0xc5: {  	_ =	sfence  }
0xc6: {  	s30 =	sld [smem:$0x0];
	_ =	sdelay $0x2  }
0xc7: {  	s31 =	sshll.u32 s1, $0xD;
	s1 =	sshrl.u32 s1, $0x2  }
0xc8: {  	s4 =	sand.u32 $0x4000, s31;
	s1 =	sadd.s32 s1, s30  }
0xc9: {  	s0 =	sor.u32 s4, s0;
	s1 =	sshll.u32 s1, $0x11  }
0xca: {  	s0 =	sor.u32 s1, s0  }
0xcb: {  	s0 =	sadd.s32 $0x8F2B, s0  }
0xcc: {  	[sflag:s0] =	ssyncadd.remote.s32 $0x1  }
0xcd: {  	_ =	sfence.sel $0xFFFF  }
0xce: {  	[dreg:$0x0] =	wrdreg $0xFFFFFFFF;
	(pc) =	sbr.abs _section_cstart, $3  }
0xcf: {  	[dreg:$0x1] =	wrdreg $0xFFFFFFFF  }
0xd0: {  	_ =	task.clear_ibuf [dreg:s22], $0x2FFFF;
	_ =	strace $0x9FFFFFFF  }
0xd1: {  	(tm) =	ssettm $0x7FFFFFFF  }
tec
execute0_lowered:
.L_overlay_start_1:
0x0: {  	(tag) =	ssettag $0x1  }
0x1: {  	s24 =	rddreg [dreg:$0x0]  }
0x2: {  	s3 =	rddreg [dreg:$0x1];
	s2 =	srdreg.scid  }
0x3: {  	s0 =	rddreg [dreg:$0x2];
	s1 =	stileid.u32;
	s25 =	sand.u32 $0x1, s2  }
0x4: {  	s2 =	simm.s32 $0x0;
	s4 =	sshll.u32 s1, $0x7;
	s5 =	sshll.u32 s25, $0x6  }
0x5: {  	[smem:$0x7FF] =	sst s2;
	s26 =	sor.u32 s5, s4  }
0x6: {  	_ =	strace $0x8000004A;
	s4 =	sadd.s32 s3, s26;
	s3 =	simm.s32 $0x2  }
0x7: {  	[tilespmem:s2], [sflag:$0x2] =	stream.linear.gather [hbm4b:s4+s2], $0x200, $0x38;
	[tilespmem:$0x800] =	vst v63  }
0x8: {  	_ =	swait.ge [sflag:s3], $0x200  }
0x9: {  	s6 =	simm.s32 $0x80;
	[sflag:s3] =	ssyncset.done $0x0  }
0xa: {  	s7 =	simm.s32 $0x200;
	s5 =	sadd.s32 $0x5DC00, s24;
	[sflag:s3] =	ssyncadd.s32 $0xFFFFFE00  }
0xb: {  	[tilespmem:s7], [sflag:$0x1] =	stream.indirect.gather [hbm4b:s5+s6], $0x1, s2, s6, $0xb8;
	[tilespmem:$0x800] =	vst v63  }
0xc: {  	s8 =	simm.s32 $0x280  }
0xd: {  	[tilespmem:s8], [sflag:$0x1] =	stream.indirect.gather [hbm4b:s5+s6], $0x1, s6, s6, $0xb8;
	[tilespmem:$0x800] =	vst v63  }
0xe: {  	s9 =	simm.s32 $0x100;
	s10 =	simm.s32 $0x300  }
0xf: {  	[tilespmem:s10], [sflag:$0x1] =	stream.indirect.gather [hbm4b:s5+s6], $0x1, s9, s6, $0xb8;
	[tilespmem:$0x800] =	vst v63  }
0x10: {  	s11 =	simm.s32 $0x180;
	s12 =	simm.s32 $0x380  }
0x11: {  	[tilespmem:s12], [sflag:$0x1] =	stream.indirect.gather [hbm4b:s5+s6], $0x1, s11, s6, $0xb8;
	[tilespmem:$0x800] =	vst v63  }
0x12: {  	s14 =	simm.s32 $0x400;
	s13 =	sadd.s32 $0x7C448, s24  }
0x13: {  	[tilespmem:s14], [sflag:$0x1] =	stream.indirect.gather [hbm4b:s13+s6], $0x1, s2, s6, $0xb8;
	[tilespmem:$0x800] =	vst v63  }
0x14: {  	s15 =	simm.s32 $0x480  }
0x15: {  	[tilespmem:s15], [sflag:$0x1] =	stream.indirect.gather [hbm4b:s13+s6], $0x1, s6, s6, $0xb8;
	[tilespmem:$0x800] =	vst v63  }
0x16: {  	s16 =	simm.s32 $0x500  }
0x17: {  	[tilespmem:s16], [sflag:$0x1] =	stream.indirect.gather [hbm4b:s13+s6], $0x1, s9, s6, $0xb8;
	[tilespmem:$0x800] =	vst v63  }
0x18: {  	s17 =	simm.s32 $0x580  }
0x19: {  	[tilespmem:s17], [sflag:$0x1] =	stream.indirect.gather [hbm4b:s13+s6], $0x1, s11, s6, $0xb8;
	[tilespmem:$0x800] =	vst v63  }
0x1a: {  	s19 =	simm.s32 $0x600;
	s18 =	sadd.s32 $0x9AC90, s24  }
0x1b: {  	[tilespmem:s19], [sflag:$0x1] =	stream.indirect.gather [hbm4b:s18+s6], $0x1, s2, s6, $0xb8;
	[tilespmem:$0x800] =	vst v63  }
0x1c: {  	s20 =	simm.s32 $0x680  }
0x1d: {  	[tilespmem:s20], [sflag:$0x1] =	stream.indirect.gather [hbm4b:s18+s6], $0x1, s6, s6, $0xb8;
	[tilespmem:$0x800] =	vst v63  }
0x1e: {  	s21 =	simm.s32 $0x700  }
0x1f: {  	[tilespmem:s21], [sflag:$0x1] =	stream.indirect.gather [hbm4b:s18+s6], $0x1, s9, s6, $0xb8;
	[tilespmem:$0x800] =	vst v63  }
0x20: {  	s22 =	simm.s32 $0x780;
	s23 =	simm.s32 $0x1  }
0x21: {  	[tilespmem:s22], [sflag:$0x1] =	stream.indirect.gather [hbm4b:s18+s6], $0x1, s11, s6, $0xb8;
	[tilespmem:$0x800] =	vst v63  }
0x22: {  	_ =	swait.ge [sflag:s23], $0x80  }
0x23: {  	[sflag:s23] =	ssyncset.done $0x0  }
0x24: {  	[sflag:s23] =	ssyncadd.s32 $0xFFFFFF80  }
0x25: {  	_ =	swait.ge [sflag:s23], $0x80  }
0x26: {  	[sflag:s23] =	ssyncset.done $0x0  }
0x27: {  	[sflag:s23] =	ssyncadd.s32 $0xFFFFFF80  }
0x28: {  	_ =	swait.ge [sflag:s23], $0x80  }
0x29: {  	[sflag:s23] =	ssyncset.done $0x0  }
0x2a: {  	[sflag:s23] =	ssyncadd.s32 $0xFFFFFF80  }
0x2b: {  	_ =	swait.ge [sflag:s23], $0x80  }
0x2c: {  	[sflag:s23] =	ssyncset.done $0x0  }
0x2d: {  	[sflag:s23] =	ssyncadd.s32 $0xFFFFFF80  }
0x2e: {  	_ =	swait.ge [sflag:s23], $0x80  }
0x2f: {  	[sflag:s23] =	ssyncset.done $0x0  }
0x30: {  	[sflag:s23] =	ssyncadd.s32 $0xFFFFFF80  }
0x31: {  	_ =	swait.ge [sflag:s23], $0x80  }
0x32: {  	[sflag:s23] =	ssyncset.done $0x0  }
0x33: {  	[sflag:s23] =	ssyncadd.s32 $0xFFFFFF80  }
0x34: {  	_ =	swait.ge [sflag:s23], $0x80  }
0x35: {  	[sflag:s23] =	ssyncset.done $0x0  }
0x36: {  	[sflag:s23] =	ssyncadd.s32 $0xFFFFFF80  }
0x37: {  	_ =	swait.ge [sflag:s23], $0x80  }
0x38: {  	[sflag:s23] =	ssyncset.done $0x0  }
0x39: {  	[sflag:s23] =	ssyncadd.s32 $0xFFFFFF80  }
0x3a: {  	_ =	swait.ge [sflag:s23], $0x80  }
0x3b: {  	[sflag:s23] =	ssyncset.done $0x0  }
0x3c: {  	[sflag:s23] =	ssyncadd.s32 $0xFFFFFF80  }
0x3d: {  	_ =	swait.ge [sflag:s23], $0x80  }
0x3e: {  	[sflag:s23] =	ssyncset.done $0x0  }
0x3f: {  	s25 =	ssub.s32 $0x2, s25;
	[sflag:s23] =	ssyncadd.s32 $0xFFFFFF80  }
0x40: {  	s31 =	sshrl.u32 s25, $0x1;
	_ =	swait.ge [sflag:s23], $0x80  }
0x41: {  	s25 =	ssub.s32 s25, s31;
	[sflag:s23] =	ssyncset.done $0x0  }
0x42: {  	s24 =	sadd.s32 s26, s24;
	s26 =	smax.u32 s25, $0x1;
	[sflag:s23] =	ssyncadd.s32 $0xFFFFFF80  }
0x43: {  	p0 =	sne.s32 s26, $0x1;
	_ =	swait.ge [sflag:s23], $0x80  }
.Ltmp0:
0x44: {  	[sflag:s23] =	ssyncset.done $0x0;
	(pc) =	sbr.rel @!p0 .LBB2_2-.Ltmp0, $4  }
0x45: {  	s24 =	sadd.s32 $0xB9600, s24;
	s25 =	simm.s32 $0x4000;
	[sflag:s23] =	ssyncadd.s32 $0xFFFFFF80  }
0x46: {  	[hbm4b:s24+s7] =	stream.strided.scatter [tilespmem:s7], [sflag:$0x2], $0x600, s25, s7, $0x38;
	[tilespmem:$0x800] =	vst v63  }
0x47: {  	_ =	swait.ge [sflag:s3], $0x600  }
0x48: {  	s26 =	sadd.s32 $0xFFFFFFFF, s26;
	[sflag:s3] =	ssyncset.done $0x0  }
.LBB2_1:
0x49: {  	p0 =	sne.s32 s26, $0x1;
	s26 =	sadd.s32 $0xFFFFFFFF, s26;
	[sflag:s3] =	ssyncadd.s32 $0xFFFFFA00  }
0x4a: {  	[tilespmem:s2], [sflag:$0x2] =	stream.linear.gather [hbm4b:s4+s2], $0x200, $0x38;
	[tilespmem:$0x800] =	vst v63  }
0x4b: {  	_ =	swait.ge [sflag:s3], $0x200  }
0x4c: {  	[sflag:s3] =	ssyncset.done $0x0  }
0x4d: {  	[sflag:s3] =	ssyncadd.s32 $0xFFFFFE00  }
0x4e: {  	[tilespmem:s7], [sflag:$0x1] =	stream.indirect.gather [hbm4b:s5+s6], $0x1, s2, s6, $0xb8;
	[tilespmem:$0x800] =	vst v63  }
0x4f: {  	_ = 	snop  }
0x50: {  	[tilespmem:s8], [sflag:$0x1] =	stream.indirect.gather [hbm4b:s5+s6], $0x1, s6, s6, $0xb8;
	[tilespmem:$0x800] =	vst v63  }
0x51: {  	_ = 	snop  }
0x52: {  	[tilespmem:s10], [sflag:$0x1] =	stream.indirect.gather [hbm4b:s5+s6], $0x1, s9, s6, $0xb8;
	[tilespmem:$0x800] =	vst v63  }
0x53: {  	_ = 	snop  }
0x54: {  	[tilespmem:s12], [sflag:$0x1] =	stream.indirect.gather [hbm4b:s5+s6], $0x1, s11, s6, $0xb8;
	[tilespmem:$0x800] =	vst v63  }
0x55: {  	_ = 	snop  }
0x56: {  	[tilespmem:s14], [sflag:$0x1] =	stream.indirect.gather [hbm4b:s13+s6], $0x1, s2, s6, $0xb8;
	[tilespmem:$0x800] =	vst v63  }
0x57: {  	_ = 	snop  }
0x58: {  	[tilespmem:s15], [sflag:$0x1] =	stream.indirect.gather [hbm4b:s13+s6], $0x1, s6, s6, $0xb8;
	[tilespmem:$0x800] =	vst v63  }
0x59: {  	_ = 	snop  }
0x5a: {  	[tilespmem:s16], [sflag:$0x1] =	stream.indirect.gather [hbm4b:s13+s6], $0x1, s9, s6, $0xb8;
	[tilespmem:$0x800] =	vst v63  }
0x5b: {  	_ = 	snop  }
0x5c: {  	[tilespmem:s17], [sflag:$0x1] =	stream.indirect.gather [hbm4b:s13+s6], $0x1, s11, s6, $0xb8;
	[tilespmem:$0x800] =	vst v63  }
0x5d: {  	_ = 	snop  }
0x5e: {  	[tilespmem:s19], [sflag:$0x1] =	stream.indirect.gather [hbm4b:s18+s6], $0x1, s2, s6, $0xb8;
	[tilespmem:$0x800] =	vst v63  }
0x5f: {  	_ = 	snop  }
0x60: {  	[tilespmem:s20], [sflag:$0x1] =	stream.indirect.gather [hbm4b:s18+s6], $0x1, s6, s6, $0xb8;
	[tilespmem:$0x800] =	vst v63  }
0x61: {  	_ = 	snop  }
0x62: {  	[tilespmem:s21], [sflag:$0x1] =	stream.indirect.gather [hbm4b:s18+s6], $0x1, s9, s6, $0xb8;
	[tilespmem:$0x800] =	vst v63  }
0x63: {  	_ = 	snop  }
0x64: {  	[tilespmem:s22], [sflag:$0x1] =	stream.indirect.gather [hbm4b:s18+s6], $0x1, s11, s6, $0xb8;
	[tilespmem:$0x800] =	vst v63  }
0x65: {  	_ =	swait.ge [sflag:s23], $0x80  }
0x66: {  	[sflag:s23] =	ssyncset.done $0x0  }
0x67: {  	[sflag:s23] =	ssyncadd.s32 $0xFFFFFF80  }
0x68: {  	_ =	swait.ge [sflag:s23], $0x80  }
0x69: {  	[sflag:s23] =	ssyncset.done $0x0  }
0x6a: {  	[sflag:s23] =	ssyncadd.s32 $0xFFFFFF80  }
0x6b: {  	_ =	swait.ge [sflag:s23], $0x80  }
0x6c: {  	[sflag:s23] =	ssyncset.done $0x0  }
0x6d: {  	[sflag:s23] =	ssyncadd.s32 $0xFFFFFF80  }
0x6e: {  	_ =	swait.ge [sflag:s23], $0x80  }
0x6f: {  	[sflag:s23] =	ssyncset.done $0x0  }
0x70: {  	[sflag:s23] =	ssyncadd.s32 $0xFFFFFF80  }
0x71: {  	_ =	swait.ge [sflag:s23], $0x80  }
0x72: {  	[sflag:s23] =	ssyncset.done $0x0  }
0x73: {  	[sflag:s23] =	ssyncadd.s32 $0xFFFFFF80  }
0x74: {  	_ =	swait.ge [sflag:s23], $0x80  }
0x75: {  	[sflag:s23] =	ssyncset.done $0x0  }
0x76: {  	[sflag:s23] =	ssyncadd.s32 $0xFFFFFF80  }
0x77: {  	_ =	swait.ge [sflag:s23], $0x80  }
0x78: {  	[sflag:s23] =	ssyncset.done $0x0  }
0x79: {  	[sflag:s23] =	ssyncadd.s32 $0xFFFFFF80  }
0x7a: {  	_ =	swait.ge [sflag:s23], $0x80  }
0x7b: {  	[sflag:s23] =	ssyncset.done $0x0  }
0x7c: {  	[sflag:s23] =	ssyncadd.s32 $0xFFFFFF80  }
0x7d: {  	_ =	swait.ge [sflag:s23], $0x80  }
0x7e: {  	[sflag:s23] =	ssyncset.done $0x0  }
0x7f: {  	[sflag:s23] =	ssyncadd.s32 $0xFFFFFF80  }
0x80: {  	_ =	swait.ge [sflag:s23], $0x80  }
0x81: {  	[sflag:s23] =	ssyncset.done $0x0  }
0x82: {  	[sflag:s23] =	ssyncadd.s32 $0xFFFFFF80  }
0x83: {  	_ =	swait.ge [sflag:s23], $0x80  }
0x84: {  	[sflag:s23] =	ssyncset.done $0x0  }
0x85: {  	[sflag:s23] =	ssyncadd.s32 $0xFFFFFF80  }
0x86: {  	_ =	swait.ge [sflag:s23], $0x80  }
.Ltmp1:
0x87: {  	[sflag:s23] =	ssyncset.done $0x0;
	(pc) =	sbr.rel @p0 .LBB2_1-.Ltmp1, $4  }
0x88: {  	[sflag:s23] =	ssyncadd.s32 $0xFFFFFF80  }
0x89: {  	[hbm4b:s24+s7] =	stream.strided.scatter [tilespmem:s7], [sflag:$0x2], $0x600, s25, s7, $0x38;
	[tilespmem:$0x800] =	vst v63  }
0x8a: {  	_ =	swait.ge [sflag:s3], $0x600  }
0x8b: {  	[sflag:s3] =	ssyncset.done $0x0  }
.LBB2_2:
0x8c: {  	[sflag:s3] =	ssyncadd.s32 $0xFFFFFA00  }
0x8d: {  	_ =	sfence.sel $0x180000  }
0x8e: {  	[bflag:$0x0] =	sbarrier.arrive $0xFFFF  }
0x8f: {  	p0 =	sne.s32 s1, $0x0;
	_ =	strace $0x9000004A  }
0x90: {  	s0 =	sadd.s32 @!p0 $0x100000, s0;
	[bflag:$0x2] =	sbarrier.arrive $0xFFFF  }
0x91: {  	[sflag:s0] =	ssyncadd.tile.s32 @!p0 $0x1;
	_ =	shalt  }
.Lfunc_end2:
_tile_overlayer_lowered:
.L_overlay_start_2:
0x92: {  	(tag) =	ssettag $0x2  }
0x93: {  	s0 =	rddreg [dreg:$0x0];
	s2 =	stileid.u32  }
0x94: {  	s1 =	rddreg [dreg:$0x1];
	p0 =	sne.s32 s2, $0x0  }
0x95: {  	s3 =	rddreg [dreg:$0x2];
	[bflag:$0x3] =	sbarrier.arrive $0xFFFF;
	s2 =	simm.s32 @!p0 $0x1C02  }
0x96: {  	[timem:s3], [sflag:s2] =	dma.local @!p0 [hbm:s0], s1  }
0x97: {  	s0 =	simm.s32 @!p0 $0x2  }
0x98: {  	_ =	swait.ge @!p0 [sflag:s0], s1  }
0x99: {  	s1 =	ssub.s32 @!p0 $0x0, s1;
	[sflag:s0] =	ssyncset.done @!p0 $0x0  }
0x9a: {  	[sflag:s0] =	ssyncadd.s32 @!p0 s1  }
0x9b: {  	[bflag:$0x3] =	sbarrier.arrive $0xFFFF  }
0x9c: {  	_ =	shalt  }

</sc_bundles>
